<compile_context>
chip_gen: v7x
topology: tpu7x:2x2x1
jax: 0.10.2.dev20260603
libtpu: 0.0.44.dev20260713+nightly
codegen_flags: <defaults>
</compile_context>

<pallas_src>
import dataclasses
import functools

import jax
import jax.numpy as jnp
from jax import lax
from jax.experimental import pallas as pl
from jax.experimental.pallas import tpu as pltpu
from jax.experimental.pallas import tpu_sc as plsc

N = 10000
D = 128
AD = 17
N_PAD = 10240
NC = 2
NS = 16
NW = NC * NS
GRP = 64
G_PER_W = 160
G_SEG = 40
N_SEG = G_PER_W // G_SEG
HEAVY_CORE = 0
G_HEAVY = 200
G_LIGHT = 2 * G_PER_W - G_HEAVY
NSEG_HEAVY = G_HEAVY // G_SEG
NSEG_LIGHT = G_LIGHT // G_SEG
E_PAD = NW * G_PER_W * GRP
ROWS_PER_SUB = N_PAD // NS

_mesh = plsc.VectorSubcoreMesh(core_axis_name="c", subcore_axis_name="s")


@functools.partial(
    pl.kernel,
    out_type=jax.ShapeDtypeStruct((NC, N_PAD, D), jnp.float32),
    mesh=_mesh,
    scratch_types=[
        pltpu.VMEM_SHARED((N_PAD, D), jnp.float32),
        pltpu.VMEM((G_SEG, GRP), jnp.int32),
        pltpu.VMEM((G_SEG, GRP), jnp.int32),
        pltpu.VMEM((GRP, D), jnp.float32),
        pltpu.VMEM((GRP, D), jnp.float32),
        pltpu.SemaphoreType.DMA,
        pltpu.SemaphoreType.DMA,
    ],
)
def _sc_segment_sum(h_hbm, src_hbm, dst_hbm, zeros_hbm, out_hbm,
                    agg_sh, src_v, dst_v, buf0, buf1, gs0, gs1):
    c = lax.axis_index("c")
    s = lax.axis_index("s")
    heavy = c == HEAVY_CORE
    base = jnp.where(heavy, s * G_HEAVY, NS * G_HEAVY + s * G_LIGHT)
    rows = pl.ds(s * ROWS_PER_SUB, ROWS_PER_SUB)
    pltpu.sync_copy(zeros_hbm.at[rows], agg_sh.at[rows])
    plsc.subcore_barrier()

    @pl.loop(0, NSEG_HEAVY)
    def _(seg):
      @pl.when(heavy | (seg < NSEG_LIGHT))
      def _():
        gbase = base + seg * G_SEG
        pltpu.sync_copy(src_hbm.at[pl.ds(gbase, G_SEG)], src_v)
        pltpu.sync_copy(dst_hbm.at[pl.ds(gbase, G_SEG)], dst_v)
        pltpu.async_copy(h_hbm.at[src_v.at[0]], buf0, gs0)
        pltpu.async_copy(h_hbm.at[src_v.at[1]], buf1, gs1)

        @pl.loop(0, G_SEG, step=2)
        def _(g):
            pltpu.make_async_copy(h_hbm.at[src_v.at[g]], buf0, gs0).wait()
            pltpu.sync_copy(buf0, agg_sh.at[dst_v.at[g]], add=True)

            @pl.when(g + 2 < G_SEG)
            def _():
                pltpu.async_copy(h_hbm.at[src_v.at[g + 2]], buf0, gs0)

            pltpu.make_async_copy(h_hbm.at[src_v.at[g + 1]], buf1, gs1).wait()
            pltpu.sync_copy(buf1, agg_sh.at[dst_v.at[g + 1]], add=True)

            @pl.when(g + 3 < G_SEG)
            def _():
                pltpu.async_copy(h_hbm.at[src_v.at[g + 3]], buf1, gs1)

    plsc.subcore_barrier()
    pltpu.sync_copy(agg_sh.at[rows], out_hbm.at[c].at[rows])


HIST_ROWS = N_PAD // D

_sc_cp = pltpu.CompilerParams()
if "needs_layout_passes" in pltpu.CompilerParams.__dataclass_fields__:
    _sc_cp = dataclasses.replace(_sc_cp, needs_layout_passes=False)


@functools.partial(
    pl.kernel,
    out_type=jax.ShapeDtypeStruct((NC, HIST_ROWS, D), jnp.float32),
    mesh=_mesh,
    compiler_params=_sc_cp,
    scratch_types=[
        pltpu.VMEM_SHARED((HIST_ROWS, D), jnp.float32),
        pltpu.VMEM((HIST_ROWS, D), jnp.float32),
        pltpu.VMEM((G_SEG, GRP), jnp.int32),
        pltpu.VMEM((HIST_ROWS,), jnp.int32),
    ],
)
def _sc_degree(dst_hbm, zeros_hbm, out_hbm, deg_sh, hist_v, dst_v, idx_v):
    c = lax.axis_index("c")
    s = lax.axis_index("s")
    w = s * NC + c
    zrows = pl.ds(s * 8, 8)

    @pl.when(s < HIST_ROWS // 8)
    def _():
        pltpu.sync_copy(zeros_hbm.at[zrows], deg_sh.at[zrows])

    pltpu.sync_copy(zeros_hbm.at[pl.ds(0, HIST_ROWS)], hist_v)

    @pl.loop(0, HIST_ROWS, step=16)
    def _(i):
        idx_v[pl.ds(i, 16)] = lax.iota(jnp.int32, 16) + i

    plsc.subcore_barrier()

    ones16 = jnp.ones((16,), jnp.float32)

    @pl.loop(0, N_SEG)
    def _(seg):
        pltpu.sync_copy(dst_hbm.at[pl.ds(w * G_PER_W + seg * G_SEG, G_SEG)],
                        dst_v)

        @pl.loop(0, G_SEG)
        def _(g):
            @pl.loop(0, GRP, step=16)
            def _(j):
                d16 = dst_v[g, pl.ds(j, 16)]
                plsc.addupdate_scatter(
                    hist_v,
                    [jnp.right_shift(d16, 7), jnp.bitwise_and(d16, 127)],
                    ones16)

    pltpu.sync_copy(hist_v, deg_sh.at[idx_v], add=True)
    plsc.subcore_barrier()

    @pl.when(s < HIST_ROWS // 8)
    def _():
        pltpu.sync_copy(deg_sh.at[zrows], out_hbm.at[c].at[zrows])


def _invdeg_body(deg_ref, o_ref):
    d = deg_ref[0] + deg_ref[1]
    o_ref[...] = 1.0 / jnp.maximum(d, 1.0)


def _tc_invdeg(deg):
    return pl.pallas_call(
        _invdeg_body,
        out_shape=jax.ShapeDtypeStruct((HIST_ROWS, D), jnp.float32),
    )(deg)


_BLK = 400


def _linear_relu_body(x_ref, w_ref, b_ref, o_ref):
    acc = jnp.dot(x_ref[...], w_ref[...], preferred_element_type=jnp.float32)
    o_ref[...] = jnp.maximum(acc + b_ref[...], 0.0)


def _tc_linear_relu(x, w, b):
    return pl.pallas_call(
        _linear_relu_body,
        grid=(N // _BLK,),
        in_specs=[
            pl.BlockSpec((_BLK, D), lambda i: (i, 0)),
            pl.BlockSpec((D, D), lambda i: (0, 0)),
            pl.BlockSpec((1, D), lambda i: (0, 0)),
        ],
        out_specs=pl.BlockSpec((_BLK, D), lambda i: (i, 0)),
        out_shape=jax.ShapeDtypeStruct((N, D), jnp.float32),
    )(x, w, b.reshape(1, D))


def _combine_body(p_ref, inv_ref, w_ref, b_ref, o_ref):
    p = p_ref[0] + p_ref[1]
    acc = jnp.dot(p * inv_ref[...], w_ref[...],
                  preferred_element_type=jnp.float32)
    o_ref[...] = jnp.maximum(acc + b_ref[...], 0.0)


def _tc_combine(parts, inv_deg, w, b):
    return pl.pallas_call(
        _combine_body,
        grid=(N // _BLK,),
        in_specs=[
            pl.BlockSpec((NC, _BLK, D), lambda i: (0, i, 0)),
            pl.BlockSpec((_BLK, 1), lambda i: (i, 0)),
            pl.BlockSpec((D, D), lambda i: (0, 0)),
            pl.BlockSpec((1, D), lambda i: (0, 0)),
        ],
        out_specs=pl.BlockSpec((_BLK, D), lambda i: (i, 0)),
        out_shape=jax.ShapeDtypeStruct((N, D), jnp.float32),
    )(parts, inv_deg, w, b.reshape(1, D))


def _lgamma(z):
    w = z + 7.0
    lprod = (jnp.log(z) + jnp.log(z + 1.0) + jnp.log(z + 2.0)
             + jnp.log(z + 3.0) + jnp.log(z + 4.0) + jnp.log(z + 5.0)
             + jnp.log(z + 6.0))
    wi = 1.0 / w
    wi2 = wi * wi
    stir = (w - 0.5) * jnp.log(w) - w + 0.91893853320467274178
    corr = wi * (1.0 / 12.0 - wi2 * (1.0 / 360.0 - wi2 * (1.0 / 1260.0)))
    return stir + corr - lprod


def _softplus(x):
    return jnp.maximum(x, 0.0) + jnp.log(1.0 + jnp.exp(-jnp.abs(x)))


def _heads_body(h_ref, wa1_ref, ba1_ref, wa2_ref, ba2_ref,
                wc1_ref, bc1_ref, wc2_ref, bc2_ref,
                act_ref, lp_ref, val_ref):
    h = h_ref[...]
    pooled = jnp.sum(h, axis=0, keepdims=True) * (1.0 / N)
    dev = h[0:1000]
    a1 = jnp.maximum(
        jnp.dot(dev, wa1_ref[...], preferred_element_type=jnp.float32)
        + ba1_ref[...], 0.0)
    raw = jnp.dot(a1, wa2_ref[...], preferred_element_type=jnp.float32) + ba2_ref[...]
    conc = _softplus(raw) + 1.0
    csum = jnp.sum(conc, axis=-1, keepdims=True)
    action = conc / csum
    act_ref[...] = action
    lp = (jnp.sum((conc - 1.0) * jnp.log(action))
          + jnp.sum(_lgamma(csum)) - jnp.sum(_lgamma(conc)))
    lp_ref[...] = jnp.reshape(lp, (1, 1))
    v1 = jnp.maximum(
        jnp.dot(pooled, wc1_ref[...], preferred_element_type=jnp.float32)
        + bc1_ref[...], 0.0)
    val_ref[...] = (jnp.dot(v1, wc2_ref[...], preferred_element_type=jnp.float32)
                    + bc2_ref[...])


def _tc_heads(h, wa1, ba1, wa2, ba2, wc1, bc1, wc2, bc2):
    return pl.pallas_call(
        _heads_body,
        out_shape=[
            jax.ShapeDtypeStruct((1000, AD), jnp.float32),
            jax.ShapeDtypeStruct((1, 1), jnp.float32),
            jax.ShapeDtypeStruct((1, 1), jnp.float32),
        ],
    )(h, wa1, ba1.reshape(1, D), wa2, ba2.reshape(1, AD),
      wc1, bc1.reshape(1, D), wc2, bc2.reshape(1, 1))


def kernel(x, edge_index, W_in, b_in, W_layers, b_layers,
           W_a1, b_a1, W_a2, b_a2, W_c1, b_c1, W_c2, b_c2):
    e = edge_index.shape[1]
    pad = E_PAD - e
    src_p = jnp.concatenate(
        [edge_index[0], jnp.zeros((pad,), jnp.int32)]).reshape(E_PAD // GRP, GRP)
    dst_p = jnp.concatenate(
        [edge_index[1], jnp.full((pad,), N, jnp.int32)]).reshape(E_PAD // GRP, GRP)
    zeros_d = jnp.zeros((N_PAD, D), jnp.float32)

    deg = _sc_degree(dst_p, zeros_d)
    inv_deg = _tc_invdeg(deg).reshape(N_PAD, 1)
    h = _tc_linear_relu(x, W_in, b_in)
    for l in range(3):
        parts = _sc_segment_sum(h, src_p, dst_p, zeros_d)
        h = _tc_combine(parts, inv_deg[:N], W_layers[l], b_layers[l])
    action, lp, val = _tc_heads(h, W_a1, b_a1, W_a2, b_a2,
                                W_c1, b_c1, W_c2, b_c2)
    return action, lp.reshape(()), val.reshape(())

# --- scband reference (transcript-rebuilt; emitter-appended) ---
"""Pipeline reference for scband-graph-mix-continuous-ppopolicy-75943611728336 (READ-ONLY COPY).

The authoritative reference and input builder live on the scoring server;
editing this copy changes nothing except your own understanding.
"""

import jax, jax.numpy as jnp
import numpy as np
from jax.scipy.special import gammaln

N = 10000
E = 320000
NODE_DIM = 128
HIDDEN = 128
LAYERS = 3
NUM_DEVICES = 1000
ACTION_DIM = 17  # num_servers + 1


def setup_inputs(seed: int = 0) -> dict:
    key = jax.random.key(seed)
    ks = jax.random.split(key, 16)
    x = jax.random.normal(ks[0], (N, NODE_DIM), dtype=jnp.float32)
    edge_index = jax.random.randint(ks[1], (2, E), 0, N, dtype=jnp.int32)
    s_in = 1.0 / np.sqrt(NODE_DIM)
    s_h = 1.0 / np.sqrt(HIDDEN)
    W_in = jax.random.normal(ks[2], (NODE_DIM, HIDDEN), dtype=jnp.float32) * s_in
    b_in = jnp.zeros((HIDDEN,), dtype=jnp.float32)
    W_layers = jax.random.normal(ks[3], (LAYERS, HIDDEN, HIDDEN), dtype=jnp.float32) * s_h
    b_layers = jnp.zeros((LAYERS, HIDDEN), dtype=jnp.float32)
    W_a1 = jax.random.normal(ks[4], (HIDDEN, HIDDEN), dtype=jnp.float32) * s_h
    b_a1 = jnp.zeros((HIDDEN,), dtype=jnp.float32)
    W_a2 = jax.random.normal(ks[5], (HIDDEN, ACTION_DIM), dtype=jnp.float32) * s_h
    b_a2 = jnp.zeros((ACTION_DIM,), dtype=jnp.float32)
    W_c1 = jax.random.normal(ks[6], (HIDDEN, HIDDEN), dtype=jnp.float32) * s_h
    b_c1 = jnp.zeros((HIDDEN,), dtype=jnp.float32)
    W_c2 = jax.random.normal(ks[7], (HIDDEN, 1), dtype=jnp.float32) * s_h
    b_c2 = jnp.zeros((1,), dtype=jnp.float32)
    return {"x": x, "edge_index": edge_index, "W_in": W_in, "b_in": b_in,
            "W_layers": W_layers, "b_layers": b_layers,
            "W_a1": W_a1, "b_a1": b_a1, "W_a2": W_a2, "b_a2": b_a2,
            "W_c1": W_c1, "b_c1": b_c1, "W_c2": W_c2, "b_c2": b_c2}


def _encoder(x, src, dst, W_in, b_in, W_layers, b_layers):
    # GNNEncoder: input projection + LAYERS rounds of mean-neighbor aggregation + linear + ReLU
    h = jax.nn.relu(x @ W_in + b_in)
    ones = jnp.ones((src.shape[0],), dtype=jnp.float32)
    deg = jax.ops.segment_sum(ones, dst, num_segments=N)
    deg = jnp.maximum(deg, 1.0)[:, None]
    for l in range(LAYERS):
        agg = jax.ops.segment_sum(h[src], dst, num_segments=N) / deg
        h = jax.nn.relu(agg @ W_layers[l] + b_layers[l])
    return h


def reference(x, edge_index, W_in, b_in, W_layers, b_layers, W_a1, b_a1, W_a2, b_a2, W_c1, b_c1, W_c2, b_c2):
    src = edge_index[0]
    dst = edge_index[1]
    h = _encoder(x, src, dst, W_in, b_in, W_layers, b_layers)
    device_embeddings = h[:NUM_DEVICES]
    pooled = h.mean(axis=0)
    raw = jax.nn.relu(device_embeddings @ W_a1 + b_a1) @ W_a2 + b_a2
    concentration = jax.nn.softplus(raw) + 1.0
    # act_deterministic: action = Dirichlet mean
    action = concentration / concentration.sum(axis=-1, keepdims=True)
    # Dirichlet log_prob(action).sum()
    lp = (jnp.sum((concentration - 1.0) * jnp.log(action), axis=-1)
          + gammaln(concentration.sum(axis=-1))
          - jnp.sum(gammaln(concentration), axis=-1))
    log_prob = lp.sum()
    value = (jax.nn.relu(pooled @ W_c1 + b_c1) @ W_c2 + b_c2).squeeze(-1)
    return (action, log_prob, value)

if __name__ == "__main__":
    import jax
    _d = setup_inputs()
    print(jax.jit(kernel)(*tuple(_d.values())))

</pallas_src>

<mosaic_0001>
#map = affine_map<(d0, d1) -> (0, 0)>
#map1 = affine_map<(d0, d1) -> (0, 0, 0)>
module attributes {stable_mosaic.version = 14 : i64} {
  func.func @_sc_segment_sum(%arg0: i32, %arg1: i32, %arg2: memref<10000x128xf32, #tpu.memory_space<hbm>>, %arg3: memref<5120x64xi32, #tpu.memory_space<hbm>>, %arg4: memref<5120x64xi32, #tpu.memory_space<hbm>>, %arg5: memref<10240x128xf32, #tpu.memory_space<hbm>>, %arg6: memref<2x10240x128xf32, #tpu.memory_space<hbm>>, %arg7: memref<10240x128xf32, #tpu.memory_space<vmem_shared>>, %arg8: memref<40x64xi32, #tpu.memory_space<vmem>>, %arg9: memref<40x64xi32, #tpu.memory_space<vmem>>, %arg10: memref<64x128xf32, #tpu.memory_space<vmem>>, %arg11: memref<64x128xf32, #tpu.memory_space<vmem>>, %arg12: memref<!tpu.dma_semaphore, #tpu.memory_space<semaphore_mem>>, %arg13: memref<!tpu.dma_semaphore, #tpu.memory_space<semaphore_mem>>) attributes {dimension_semantics = [#tpu.dimension_semantics<core_parallel>, #tpu.dimension_semantics<subcore_parallel>], iteration_bounds = array<i64: 2, 16>, scalar_prefetch = 0 : i64, scratch_operands = 7 : i64, tpu.core_type = #tpu.core_type<sc_vector_subcore>, window_params = [{transform_indices = #map}, {transform_indices = #map}, {transform_indices = #map}, {transform_indices = #map}, {transform_indices = #map1}]} {
    %eq3A = arith.constant 0 : i32
    %eq3A_0 = arith.cmpi eq, %arg0, %eq3A : i32
    %mul3A = arith.constant 200 : i32
    %mul3A_1 = arith.muli %arg1, %mul3A : i32
    %mul3A_2 = arith.constant 120 : i32
    %mul3A_3 = arith.muli %arg1, %mul3A_2 : i32
    %add3A = arith.constant 3200 : i32
    %add3A_4 = arith.addi %add3A, %mul3A_3 : i32
    %select_n3A = arith.select %eq3A_0, %mul3A_1, %add3A_4 : i32
    %mul3A_5 = arith.constant 640 : i32
    %mul3A_6 = arith.muli %arg1, %mul3A_5 : i32
    "tpu.region"() ({
      %run_scoped3A = tpu.sem_alloc : memref<!tpu.dma_semaphore, #tpu.memory_space<semaphore_mem>>
      %dma_start3A = arith.constant 0 : i32
      %dma_start3A_12 = tpu.memref_slice %arg7[%mul3A_6, %dma_start3A] : memref<10240x128xf32, #tpu.memory_space<vmem_shared>> -> memref<640x128xf32, #tpu.memory_space<vmem_shared>>
      %dma_start3A_13 = arith.constant 0 : i32
      %dma_start3A_14 = tpu.memref_slice %arg5[%mul3A_6, %dma_start3A_13] : memref<10240x128xf32, #tpu.memory_space<hbm>> -> memref<640x128xf32, #tpu.memory_space<hbm>>
      tpu.enqueue_dma source(%dma_start3A_14 : memref<640x128xf32, #tpu.memory_space<hbm>>) target(%dma_start3A_12 : memref<640x128xf32, #tpu.memory_space<vmem_shared>>) target_semaphore(%run_scoped3A : memref<!tpu.dma_semaphore, #tpu.memory_space<semaphore_mem>>)
      %dma_wait3A = arith.constant 0 : i32
      %dma_wait3A_15 = tpu.memref_slice %arg7[%mul3A_6, %dma_wait3A] : memref<10240x128xf32, #tpu.memory_space<vmem_shared>> -> memref<640x128xf32, #tpu.memory_space<vmem_shared>>
      %dma_wait3A_16 = arith.constant 0 : i32
      %dma_wait3A_17 = tpu.memref_slice %arg5[%mul3A_6, %dma_wait3A_16] : memref<10240x128xf32, #tpu.memory_space<hbm>> -> memref<640x128xf32, #tpu.memory_space<hbm>>
      tpu.wait_dma2 semaphore(%run_scoped3A : memref<!tpu.dma_semaphore, #tpu.memory_space<semaphore_mem>>) src(%dma_wait3A_17 : memref<640x128xf32, #tpu.memory_space<hbm>>) dst(%dma_wait3A_15 : memref<640x128xf32, #tpu.memory_space<vmem_shared>>)
      tpu.yield
    }) : () -> ()
    %barrier3A = arith.constant 0 : index
    tpu.barrier barrier_id(%barrier3A)
    %scan3A = arith.constant 0 : i32
    %scan3A_7 = arith.constant 5 : i32
    %scan3A_8 = arith.addi %scan3A, %scan3A_7 : i32
    %scan3A_9 = arith.constant 1 : i32
    scf.for %scan3A_12 = %scan3A to %scan3A_8 step %scan3A_9  : i32 {
      %mul3A_13 = arith.constant 1 : i32
      %mul3A_14 = arith.muli %scan3A_12, %mul3A_13 : i32
      %add3A_15 = arith.constant 0 : i32
      %add3A_16 = arith.addi %add3A_15, %mul3A_14 : i32
      %lt3A = arith.constant 3 : i32
      %lt3A_17 = arith.cmpi slt, %add3A_16, %lt3A : i32
      %or3A = arith.ori %eq3A_0, %lt3A_17 : i1
      %convert_element_type3A = arith.extui %or3A : i1 to i32
      %cond3A = arith.constant 0 : i32
      %cond3A_18 = arith.cmpi ne, %convert_element_type3A, %cond3A : i32
      scf.if %cond3A_18 {
        %mul3A_19 = arith.constant 40 : i32
        %mul3A_20 = arith.muli %add3A_16, %mul3A_19 : i32
        %add3A_21 = arith.addi %select_n3A, %mul3A_20 : i32
        "tpu.region"() ({
          %run_scoped3A = tpu.sem_alloc : memref<!tpu.dma_semaphore, #tpu.memory_space<semaphore_mem>>
          %dma_start3A_40 = arith.constant 0 : i32
          %dma_start3A_41 = tpu.memref_slice %arg3[%add3A_21, %dma_start3A_40] : memref<5120x64xi32, #tpu.memory_space<hbm>> -> memref<40x64xi32, #tpu.memory_space<hbm>>
          %dma_start3A_42 = arith.constant 0 : i32
          %dma_start3A_43 = tpu.memref_slice %arg3[%add3A_21, %dma_start3A_42] : memref<5120x64xi32, #tpu.memory_space<hbm>> -> memref<40x64xi32, #tpu.memory_space<hbm>>
          tpu.enqueue_dma source(%dma_start3A_43 : memref<40x64xi32, #tpu.memory_space<hbm>>) target(%arg8 : memref<40x64xi32, #tpu.memory_space<vmem>>) target_semaphore(%run_scoped3A : memref<!tpu.dma_semaphore, #tpu.memory_space<semaphore_mem>>)
          %dma_wait3A = arith.constant 0 : i32
          %dma_wait3A_44 = tpu.memref_slice %arg3[%add3A_21, %dma_wait3A] : memref<5120x64xi32, #tpu.memory_space<hbm>> -> memref<40x64xi32, #tpu.memory_space<hbm>>
          %dma_wait3A_45 = arith.constant 0 : i32
          %dma_wait3A_46 = tpu.memref_slice %arg3[%add3A_21, %dma_wait3A_45] : memref<5120x64xi32, #tpu.memory_space<hbm>> -> memref<40x64xi32, #tpu.memory_space<hbm>>
          tpu.wait_dma2 semaphore(%run_scoped3A : memref<!tpu.dma_semaphore, #tpu.memory_space<semaphore_mem>>) src(%dma_wait3A_46 : memref<40x64xi32, #tpu.memory_space<hbm>>) dst(%arg8 : memref<40x64xi32, #tpu.memory_space<vmem>>)
          tpu.yield
        }) : () -> ()
        "tpu.region"() ({
          %run_scoped3A = tpu.sem_alloc : memref<!tpu.dma_semaphore, #tpu.memory_space<semaphore_mem>>
          %dma_start3A_40 = arith.constant 0 : i32
          %dma_start3A_41 = tpu.memref_slice %arg4[%add3A_21, %dma_start3A_40] : memref<5120x64xi32, #tpu.memory_space<hbm>> -> memref<40x64xi32, #tpu.memory_space<hbm>>
          %dma_start3A_42 = arith.constant 0 : i32
          %dma_start3A_43 = tpu.memref_slice %arg4[%add3A_21, %dma_start3A_42] : memref<5120x64xi32, #tpu.memory_space<hbm>> -> memref<40x64xi32, #tpu.memory_space<hbm>>
          tpu.enqueue_dma source(%dma_start3A_43 : memref<40x64xi32, #tpu.memory_space<hbm>>) target(%arg9 : memref<40x64xi32, #tpu.memory_space<vmem>>) target_semaphore(%run_scoped3A : memref<!tpu.dma_semaphore, #tpu.memory_space<semaphore_mem>>)
          %dma_wait3A = arith.constant 0 : i32
          %dma_wait3A_44 = tpu.memref_slice %arg4[%add3A_21, %dma_wait3A] : memref<5120x64xi32, #tpu.memory_space<hbm>> -> memref<40x64xi32, #tpu.memory_space<hbm>>
          %dma_wait3A_45 = arith.constant 0 : i32
          %dma_wait3A_46 = tpu.memref_slice %arg4[%add3A_21, %dma_wait3A_45] : memref<5120x64xi32, #tpu.memory_space<hbm>> -> memref<40x64xi32, #tpu.memory_space<hbm>>
          tpu.wait_dma2 semaphore(%run_scoped3A : memref<!tpu.dma_semaphore, #tpu.memory_space<semaphore_mem>>) src(%dma_wait3A_46 : memref<40x64xi32, #tpu.memory_space<hbm>>) dst(%arg9 : memref<40x64xi32, #tpu.memory_space<vmem>>)
          tpu.yield
        }) : () -> ()
        %dma_start3A = arith.constant 0 : i32
        %dma_start3A_22 = arith.constant 0 : i32
        %dma_start3A_23 = tpu.memref_slice %arg8[%dma_start3A, %dma_start3A_22] : memref<40x64xi32, #tpu.memory_space<vmem>> -> memref<1x64xi32, #tpu.memory_space<vmem>>
        %dma_start3A_24 = tpu.memref_squeeze %dma_start3A_23 : memref<1x64xi32, #tpu.memory_space<vmem>> -> memref<64xi32, #tpu.memory_space<vmem>>
        %dma_start3A_25 = arith.constant 0 : i32
        %dma_start3A_26 = arith.constant 0 : i32
        %dma_start3A_27 = tpu.memref_slice %arg2[%dma_start3A_25, %dma_start3A_26] : memref<10000x128xf32, #tpu.memory_space<hbm>> -> memref<10000x128xf32, #tpu.memory_space<hbm>>
        tpu.enqueue_indirect_dma source(%dma_start3A_27 : memref<10000x128xf32, #tpu.memory_space<hbm>>) target(%arg10 : memref<64x128xf32, #tpu.memory_space<vmem>>) offsets(%dma_start3A_24 : memref<64xi32, #tpu.memory_space<vmem>>) semaphore(%arg12 : memref<!tpu.dma_semaphore, #tpu.memory_space<semaphore_mem>>)
        %dma_start3A_28 = arith.constant 1 : i32
        %dma_start3A_29 = arith.constant 0 : i32
        %dma_start3A_30 = tpu.memref_slice %arg8[%dma_start3A_28, %dma_start3A_29] : memref<40x64xi32, #tpu.memory_space<vmem>> -> memref<1x64xi32, #tpu.memory_space<vmem>>
        %dma_start3A_31 = tpu.memref_squeeze %dma_start3A_30 : memref<1x64xi32, #tpu.memory_space<vmem>> -> memref<64xi32, #tpu.memory_space<vmem>>
        %dma_start3A_32 = arith.constant 0 : i32
        %dma_start3A_33 = arith.constant 0 : i32
        %dma_start3A_34 = tpu.memref_slice %arg2[%dma_start3A_32, %dma_start3A_33] : memref<10000x128xf32, #tpu.memory_space<hbm>> -> memref<10000x128xf32, #tpu.memory_space<hbm>>
        tpu.enqueue_indirect_dma source(%dma_start3A_34 : memref<10000x128xf32, #tpu.memory_space<hbm>>) target(%arg11 : memref<64x128xf32, #tpu.memory_space<vmem>>) offsets(%dma_start3A_31 : memref<64xi32, #tpu.memory_space<vmem>>) semaphore(%arg13 : memref<!tpu.dma_semaphore, #tpu.memory_space<semaphore_mem>>)
        %scan3A_35 = arith.constant 0 : i32
        %scan3A_36 = arith.constant 20 : i32
        %scan3A_37 = arith.addi %scan3A_35, %scan3A_36 : i32
        %scan3A_38 = arith.constant 1 : i32
        scf.for %scan3A_40 = %scan3A_35 to %scan3A_37 step %scan3A_38  : i32 {
          %mul3A_41 = arith.constant 2 : i32
          %mul3A_42 = arith.muli %scan3A_40, %mul3A_41 : i32
          %add3A_43 = arith.constant 0 : i32
          %add3A_44 = arith.addi %add3A_43, %mul3A_42 : i32
          %dma_wait3A = arith.constant 0 : i32
          %dma_wait3A_45 = tpu.memref_slice %arg8[%add3A_44, %dma_wait3A] : memref<40x64xi32, #tpu.memory_space<vmem>> -> memref<1x64xi32, #tpu.memory_space<vmem>>
          %dma_wait3A_46 = tpu.memref_squeeze %dma_wait3A_45 : memref<1x64xi32, #tpu.memory_space<vmem>> -> memref<64xi32, #tpu.memory_space<vmem>>
          %dma_wait3A_47 = arith.constant 0 : i32
          %dma_wait3A_48 = arith.constant 0 : i32
          %dma_wait3A_49 = tpu.memref_slice %arg2[%dma_wait3A_47, %dma_wait3A_48] : memref<10000x128xf32, #tpu.memory_space<hbm>> -> memref<10000x128xf32, #tpu.memory_space<hbm>>
          tpu.wait_indirect_dma semaphore(%arg12 : memref<!tpu.dma_semaphore, #tpu.memory_space<semaphore_mem>>) src(%dma_wait3A_49 : memref<10000x128xf32, #tpu.memory_space<hbm>>) dst(%arg10 : memref<64x128xf32, #tpu.memory_space<vmem>>)
          "tpu.region"() ({
            %run_scoped3A = tpu.sem_alloc : memref<!tpu.dma_semaphore, #tpu.memory_space<semaphore_mem>>
            %dma_start3A_74 = arith.constant 0 : i32
            %dma_start3A_75 = tpu.memref_slice %arg9[%add3A_44, %dma_start3A_74] : memref<40x64xi32, #tpu.memory_space<vmem>> -> memref<1x64xi32, #tpu.memory_space<vmem>>
            %dma_start3A_76 = tpu.memref_squeeze %dma_start3A_75 : memref<1x64xi32, #tpu.memory_space<vmem>> -> memref<64xi32, #tpu.memory_space<vmem>>
            %dma_start3A_77 = arith.constant 0 : i32
            %dma_start3A_78 = arith.constant 0 : i32
            %dma_start3A_79 = tpu.memref_slice %arg7[%dma_start3A_77, %dma_start3A_78] : memref<10240x128xf32, #tpu.memory_space<vmem_shared>> -> memref<10240x128xf32, #tpu.memory_space<vmem_shared>>
            tpu.enqueue_indirect_dma source(%arg10 : memref<64x128xf32, #tpu.memory_space<vmem>>) target(%dma_start3A_79 : memref<10240x128xf32, #tpu.memory_space<vmem_shared>>) offsets(%dma_start3A_76 : memref<64xi32, #tpu.memory_space<vmem>>) semaphore(%run_scoped3A : memref<!tpu.dma_semaphore, #tpu.memory_space<semaphore_mem>>) {add = true}
            %dma_wait3A_80 = arith.constant 0 : i32
            %dma_wait3A_81 = tpu.memref_slice %arg9[%add3A_44, %dma_wait3A_80] : memref<40x64xi32, #tpu.memory_space<vmem>> -> memref<1x64xi32, #tpu.memory_space<vmem>>
            %dma_wait3A_82 = tpu.memref_squeeze %dma_wait3A_81 : memref<1x64xi32, #tpu.memory_space<vmem>> -> memref<64xi32, #tpu.memory_space<vmem>>
            %dma_wait3A_83 = arith.constant 0 : i32
            %dma_wait3A_84 = arith.constant 0 : i32
            %dma_wait3A_85 = tpu.memref_slice %arg7[%dma_wait3A_83, %dma_wait3A_84] : memref<10240x128xf32, #tpu.memory_space<vmem_shared>> -> memref<10240x128xf32, #tpu.memory_space<vmem_shared>>
            tpu.wait_indirect_dma semaphore(%run_scoped3A : memref<!tpu.dma_semaphore, #tpu.memory_space<semaphore_mem>>) src(%arg10 : memref<64x128xf32, #tpu.memory_space<vmem>>) dst(%dma_wait3A_85 : memref<10240x128xf32, #tpu.memory_space<vmem_shared>>)
            tpu.yield
          }) : () -> ()
          %add3A_50 = arith.constant 2 : i32
          %add3A_51 = arith.addi %add3A_44, %add3A_50 : i32
          %lt3A_52 = arith.constant 40 : i32
          %lt3A_53 = arith.cmpi slt, %add3A_51, %lt3A_52 : i32
          %convert_element_type3A_54 = arith.extui %lt3A_53 : i1 to i32
          %cond3A_55 = arith.constant 0 : i32
          %cond3A_56 = arith.cmpi ne, %convert_element_type3A_54, %cond3A_55 : i32
          scf.if %cond3A_56 {
            %add3A_74 = arith.constant 2 : i32
            %add3A_75 = arith.addi %add3A_44, %add3A_74 : i32
            %dma_start3A_76 = arith.constant 0 : i32
            %dma_start3A_77 = tpu.memref_slice %arg8[%add3A_75, %dma_start3A_76] : memref<40x64xi32, #tpu.memory_space<vmem>> -> memref<1x64xi32, #tpu.memory_space<vmem>>
            %dma_start3A_78 = tpu.memref_squeeze %dma_start3A_77 : memref<1x64xi32, #tpu.memory_space<vmem>> -> memref<64xi32, #tpu.memory_space<vmem>>
            %dma_start3A_79 = arith.constant 0 : i32
            %dma_start3A_80 = arith.constant 0 : i32
            %dma_start3A_81 = tpu.memref_slice %arg2[%dma_start3A_79, %dma_start3A_80] : memref<10000x128xf32, #tpu.memory_space<hbm>> -> memref<10000x128xf32, #tpu.memory_space<hbm>>
            tpu.enqueue_indirect_dma source(%dma_start3A_81 : memref<10000x128xf32, #tpu.memory_space<hbm>>) target(%arg10 : memref<64x128xf32, #tpu.memory_space<vmem>>) offsets(%dma_start3A_78 : memref<64xi32, #tpu.memory_space<vmem>>) semaphore(%arg12 : memref<!tpu.dma_semaphore, #tpu.memory_space<semaphore_mem>>)
          } else {
          }
          %add3A_57 = arith.constant 1 : i32
          %add3A_58 = arith.addi %add3A_44, %add3A_57 : i32
          %dma_wait3A_59 = arith.constant 0 : i32
          %dma_wait3A_60 = tpu.memref_slice %arg8[%add3A_58, %dma_wait3A_59] : memref<40x64xi32, #tpu.memory_space<vmem>> -> memref<1x64xi32, #tpu.memory_space<vmem>>
          %dma_wait3A_61 = tpu.memref_squeeze %dma_wait3A_60 : memref<1x64xi32, #tpu.memory_space<vmem>> -> memref<64xi32, #tpu.memory_space<vmem>>
          %dma_wait3A_62 = arith.constant 0 : i32
          %dma_wait3A_63 = arith.constant 0 : i32
          %dma_wait3A_64 = tpu.memref_slice %arg2[%dma_wait3A_62, %dma_wait3A_63] : memref<10000x128xf32, #tpu.memory_space<hbm>> -> memref<10000x128xf32, #tpu.memory_space<hbm>>
          tpu.wait_indirect_dma semaphore(%arg13 : memref<!tpu.dma_semaphore, #tpu.memory_space<semaphore_mem>>) src(%dma_wait3A_64 : memref<10000x128xf32, #tpu.memory_space<hbm>>) dst(%arg11 : memref<64x128xf32, #tpu.memory_space<vmem>>)
          %add3A_65 = arith.constant 1 : i32
          %add3A_66 = arith.addi %add3A_44, %add3A_65 : i32
          "tpu.region"() ({
            %run_scoped3A = tpu.sem_alloc : memref<!tpu.dma_semaphore, #tpu.memory_space<semaphore_mem>>
            %dma_start3A_74 = arith.constant 0 : i32
            %dma_start3A_75 = tpu.memref_slice %arg9[%add3A_66, %dma_start3A_74] : memref<40x64xi32, #tpu.memory_space<vmem>> -> memref<1x64xi32, #tpu.memory_space<vmem>>
            %dma_start3A_76 = tpu.memref_squeeze %dma_start3A_75 : memref<1x64xi32, #tpu.memory_space<vmem>> -> memref<64xi32, #tpu.memory_space<vmem>>
            %dma_start3A_77 = arith.constant 0 : i32
            %dma_start3A_78 = arith.constant 0 : i32
            %dma_start3A_79 = tpu.memref_slice %arg7[%dma_start3A_77, %dma_start3A_78] : memref<10240x128xf32, #tpu.memory_space<vmem_shared>> -> memref<10240x128xf32, #tpu.memory_space<vmem_shared>>
            tpu.enqueue_indirect_dma source(%arg11 : memref<64x128xf32, #tpu.memory_space<vmem>>) target(%dma_start3A_79 : memref<10240x128xf32, #tpu.memory_space<vmem_shared>>) offsets(%dma_start3A_76 : memref<64xi32, #tpu.memory_space<vmem>>) semaphore(%run_scoped3A : memref<!tpu.dma_semaphore, #tpu.memory_space<semaphore_mem>>) {add = true}
            %dma_wait3A_80 = arith.constant 0 : i32
            %dma_wait3A_81 = tpu.memref_slice %arg9[%add3A_66, %dma_wait3A_80] : memref<40x64xi32, #tpu.memory_space<vmem>> -> memref<1x64xi32, #tpu.memory_space<vmem>>
            %dma_wait3A_82 = tpu.memref_squeeze %dma_wait3A_81 : memref<1x64xi32, #tpu.memory_space<vmem>> -> memref<64xi32, #tpu.memory_space<vmem>>
            %dma_wait3A_83 = arith.constant 0 : i32
            %dma_wait3A_84 = arith.constant 0 : i32
            %dma_wait3A_85 = tpu.memref_slice %arg7[%dma_wait3A_83, %dma_wait3A_84] : memref<10240x128xf32, #tpu.memory_space<vmem_shared>> -> memref<10240x128xf32, #tpu.memory_space<vmem_shared>>
            tpu.wait_indirect_dma semaphore(%run_scoped3A : memref<!tpu.dma_semaphore, #tpu.memory_space<semaphore_mem>>) src(%arg11 : memref<64x128xf32, #tpu.memory_space<vmem>>) dst(%dma_wait3A_85 : memref<10240x128xf32, #tpu.memory_space<vmem_shared>>)
            tpu.yield
          }) : () -> ()
          %add3A_67 = arith.constant 3 : i32
          %add3A_68 = arith.addi %add3A_44, %add3A_67 : i32
          %lt3A_69 = arith.constant 40 : i32
          %lt3A_70 = arith.cmpi slt, %add3A_68, %lt3A_69 : i32
          %convert_element_type3A_71 = arith.extui %lt3A_70 : i1 to i32
          %cond3A_72 = arith.constant 0 : i32
          %cond3A_73 = arith.cmpi ne, %convert_element_type3A_71, %cond3A_72 : i32
          scf.if %cond3A_73 {
            %add3A_74 = arith.constant 3 : i32
            %add3A_75 = arith.addi %add3A_44, %add3A_74 : i32
            %dma_start3A_76 = arith.constant 0 : i32
            %dma_start3A_77 = tpu.memref_slice %arg8[%add3A_75, %dma_start3A_76] : memref<40x64xi32, #tpu.memory_space<vmem>> -> memref<1x64xi32, #tpu.memory_space<vmem>>
            %dma_start3A_78 = tpu.memref_squeeze %dma_start3A_77 : memref<1x64xi32, #tpu.memory_space<vmem>> -> memref<64xi32, #tpu.memory_space<vmem>>
            %dma_start3A_79 = arith.constant 0 : i32
            %dma_start3A_80 = arith.constant 0 : i32
            %dma_start3A_81 = tpu.memref_slice %arg2[%dma_start3A_79, %dma_start3A_80] : memref<10000x128xf32, #tpu.memory_space<hbm>> -> memref<10000x128xf32, #tpu.memory_space<hbm>>
            tpu.enqueue_indirect_dma source(%dma_start3A_81 : memref<10000x128xf32, #tpu.memory_space<hbm>>) target(%arg11 : memref<64x128xf32, #tpu.memory_space<vmem>>) offsets(%dma_start3A_78 : memref<64xi32, #tpu.memory_space<vmem>>) semaphore(%arg13 : memref<!tpu.dma_semaphore, #tpu.memory_space<semaphore_mem>>)
          } else {
          }
        }
        %scan3A_39 = arith.constant 20 : i32
      } else {
      }
    }
    %scan3A_10 = arith.constant 5 : i32
    %barrier3A_11 = arith.constant 0 : index
    tpu.barrier barrier_id(%barrier3A_11)
    "tpu.region"() ({
      %run_scoped3A = tpu.sem_alloc : memref<!tpu.dma_semaphore, #tpu.memory_space<semaphore_mem>>
      %dma_start3A = arith.constant 0 : i32
      %dma_start3A_12 = arith.constant 0 : i32
      %dma_start3A_13 = tpu.memref_slice %arg6[%arg0, %dma_start3A, %dma_start3A_12] : memref<2x10240x128xf32, #tpu.memory_space<hbm>> -> memref<1x10240x128xf32, #tpu.memory_space<hbm>>
      %dma_start3A_14 = tpu.memref_squeeze %dma_start3A_13 : memref<1x10240x128xf32, #tpu.memory_space<hbm>> -> memref<10240x128xf32, #tpu.memory_space<hbm>>
      %dma_start3A_15 = arith.constant 0 : i32
      %dma_start3A_16 = tpu.memref_slice %dma_start3A_14[%mul3A_6, %dma_start3A_15] : memref<10240x128xf32, #tpu.memory_space<hbm>> -> memref<640x128xf32, #tpu.memory_space<hbm>>
      %dma_start3A_17 = arith.constant 0 : i32
      %dma_start3A_18 = tpu.memref_slice %arg7[%mul3A_6, %dma_start3A_17] : memref<10240x128xf32, #tpu.memory_space<vmem_shared>> -> memref<640x128xf32, #tpu.memory_space<vmem_shared>>
      tpu.enqueue_dma source(%dma_start3A_18 : memref<640x128xf32, #tpu.memory_space<vmem_shared>>) target(%dma_start3A_16 : memref<640x128xf32, #tpu.memory_space<hbm>>) target_semaphore(%run_scoped3A : memref<!tpu.dma_semaphore, #tpu.memory_space<semaphore_mem>>)
      %dma_wait3A = arith.constant 0 : i32
      %dma_wait3A_19 = arith.constant 0 : i32
      %dma_wait3A_20 = tpu.memref_slice %arg6[%arg0, %dma_wait3A, %dma_wait3A_19] : memref<2x10240x128xf32, #tpu.memory_space<hbm>> -> memref<1x10240x128xf32, #tpu.memory_space<hbm>>
      %dma_wait3A_21 = tpu.memref_squeeze %dma_wait3A_20 : memref<1x10240x128xf32, #tpu.memory_space<hbm>> -> memref<10240x128xf32, #tpu.memory_space<hbm>>
      %dma_wait3A_22 = arith.constant 0 : i32
      %dma_wait3A_23 = tpu.memref_slice %dma_wait3A_21[%mul3A_6, %dma_wait3A_22] : memref<10240x128xf32, #tpu.memory_space<hbm>> -> memref<640x128xf32, #tpu.memory_space<hbm>>
      %dma_wait3A_24 = arith.constant 0 : i32
      %dma_wait3A_25 = tpu.memref_slice %arg7[%mul3A_6, %dma_wait3A_24] : memref<10240x128xf32, #tpu.memory_space<vmem_shared>> -> memref<640x128xf32, #tpu.memory_space<vmem_shared>>
      tpu.wait_dma2 semaphore(%run_scoped3A : memref<!tpu.dma_semaphore, #tpu.memory_space<semaphore_mem>>) src(%dma_wait3A_25 : memref<640x128xf32, #tpu.memory_space<vmem_shared>>) dst(%dma_wait3A_23 : memref<640x128xf32, #tpu.memory_space<hbm>>)
      tpu.yield
    }) : () -> ()
    return
  }
}

#map = affine_map<(d0, d1) -> (0, 0)>
#map1 = affine_map<(d0, d1) -> (0, 0, 0)>
module attributes {stable_mosaic.version = 14 : i64} {
  func.func @_sc_degree(%arg0: i32, %arg1: i32, %arg2: memref<5120x64xi32, #tpu.memory_space<hbm>>, %arg3: memref<10240x128xf32, #tpu.memory_space<hbm>>, %arg4: memref<2x80x128xf32, #tpu.memory_space<hbm>>, %arg5: memref<80x128xf32, #tpu.memory_space<vmem_shared>>, %arg6: memref<80x128xf32, #tpu.memory_space<vmem>>, %arg7: memref<40x64xi32, #tpu.memory_space<vmem>>, %arg8: memref<80xi32, #tpu.memory_space<vmem>>) attributes {dimension_semantics = [#tpu.dimension_semantics<core_parallel>, #tpu.dimension_semantics<subcore_parallel>], iteration_bounds = array<i64: 2, 16>, scalar_prefetch = 0 : i64, scratch_operands = 4 : i64, tpu.core_type = #tpu.core_type<sc_vector_subcore>, window_params = [{transform_indices = #map}, {transform_indices = #map}, {transform_indices = #map1}]} {
    %mul3A = arith.constant 2 : i32
    %mul3A_0 = arith.muli %arg1, %mul3A : i32
    %add3A = arith.addi %mul3A_0, %arg0 : i32
    %mul3A_1 = arith.constant 8 : i32
    %mul3A_2 = arith.muli %arg1, %mul3A_1 : i32
    %lt3A = arith.constant 10 : i32
    %lt3A_3 = arith.cmpi slt, %arg1, %lt3A : i32
    %convert_element_type3A = arith.extui %lt3A_3 : i1 to i32
    %cond3A = arith.constant 0 : i32
    %cond3A_4 = arith.cmpi ne, %convert_element_type3A, %cond3A : i32
    scf.if %cond3A_4 {
      "tpu.region"() ({
        %run_scoped3A = tpu.sem_alloc : memref<!tpu.dma_semaphore, #tpu.memory_space<semaphore_mem>>
        %dma_start3A = arith.constant 0 : i32
        %dma_start3A_21 = tpu.memref_slice %arg5[%mul3A_2, %dma_start3A] : memref<80x128xf32, #tpu.memory_space<vmem_shared>> -> memref<8x128xf32, #tpu.memory_space<vmem_shared>>
        %dma_start3A_22 = arith.constant 0 : i32
        %dma_start3A_23 = tpu.memref_slice %arg3[%mul3A_2, %dma_start3A_22] : memref<10240x128xf32, #tpu.memory_space<hbm>> -> memref<8x128xf32, #tpu.memory_space<hbm>>
        tpu.enqueue_dma source(%dma_start3A_23 : memref<8x128xf32, #tpu.memory_space<hbm>>) target(%dma_start3A_21 : memref<8x128xf32, #tpu.memory_space<vmem_shared>>) target_semaphore(%run_scoped3A : memref<!tpu.dma_semaphore, #tpu.memory_space<semaphore_mem>>)
        %dma_wait3A = arith.constant 0 : i32
        %dma_wait3A_24 = tpu.memref_slice %arg5[%mul3A_2, %dma_wait3A] : memref<80x128xf32, #tpu.memory_space<vmem_shared>> -> memref<8x128xf32, #tpu.memory_space<vmem_shared>>
        %dma_wait3A_25 = arith.constant 0 : i32
        %dma_wait3A_26 = tpu.memref_slice %arg3[%mul3A_2, %dma_wait3A_25] : memref<10240x128xf32, #tpu.memory_space<hbm>> -> memref<8x128xf32, #tpu.memory_space<hbm>>
        tpu.wait_dma2 semaphore(%run_scoped3A : memref<!tpu.dma_semaphore, #tpu.memory_space<semaphore_mem>>) src(%dma_wait3A_26 : memref<8x128xf32, #tpu.memory_space<hbm>>) dst(%dma_wait3A_24 : memref<8x128xf32, #tpu.memory_space<vmem_shared>>)
        tpu.yield
      }) : () -> ()
    } else {
    }
    "tpu.region"() ({
      %run_scoped3A = tpu.sem_alloc : memref<!tpu.dma_semaphore, #tpu.memory_space<semaphore_mem>>
      %dma_start3A = arith.constant 0 : i32
      %dma_start3A_21 = arith.constant 0 : i32
      %dma_start3A_22 = tpu.memref_slice %arg3[%dma_start3A, %dma_start3A_21] : memref<10240x128xf32, #tpu.memory_space<hbm>> -> memref<80x128xf32, #tpu.memory_space<hbm>>
      %dma_start3A_23 = arith.constant 0 : i32
      %dma_start3A_24 = arith.constant 0 : i32
      %dma_start3A_25 = tpu.memref_slice %arg3[%dma_start3A_23, %dma_start3A_24] : memref<10240x128xf32, #tpu.memory_space<hbm>> -> memref<80x128xf32, #tpu.memory_space<hbm>>
      tpu.enqueue_dma source(%dma_start3A_25 : memref<80x128xf32, #tpu.memory_space<hbm>>) target(%arg6 : memref<80x128xf32, #tpu.memory_space<vmem>>) target_semaphore(%run_scoped3A : memref<!tpu.dma_semaphore, #tpu.memory_space<semaphore_mem>>)
      %dma_wait3A = arith.constant 0 : i32
      %dma_wait3A_26 = arith.constant 0 : i32
      %dma_wait3A_27 = tpu.memref_slice %arg3[%dma_wait3A, %dma_wait3A_26] : memref<10240x128xf32, #tpu.memory_space<hbm>> -> memref<80x128xf32, #tpu.memory_space<hbm>>
      %dma_wait3A_28 = arith.constant 0 : i32
      %dma_wait3A_29 = arith.constant 0 : i32
      %dma_wait3A_30 = tpu.memref_slice %arg3[%dma_wait3A_28, %dma_wait3A_29] : memref<10240x128xf32, #tpu.memory_space<hbm>> -> memref<80x128xf32, #tpu.memory_space<hbm>>
      tpu.wait_dma2 semaphore(%run_scoped3A : memref<!tpu.dma_semaphore, #tpu.memory_space<semaphore_mem>>) src(%dma_wait3A_30 : memref<80x128xf32, #tpu.memory_space<hbm>>) dst(%arg6 : memref<80x128xf32, #tpu.memory_space<vmem>>)
      tpu.yield
    }) : () -> ()
    %scan3A = arith.constant 0 : i32
    %scan3A_5 = arith.constant 5 : i32
    %scan3A_6 = arith.addi %scan3A, %scan3A_5 : i32
    %scan3A_7 = arith.constant 1 : i32
    scf.for %scan3A_21 = %scan3A to %scan3A_6 step %scan3A_7  : i32 {
      %mul3A_22 = arith.constant 16 : i32
      %mul3A_23 = arith.muli %scan3A_21, %mul3A_22 : i32
      %add3A_24 = arith.constant 0 : i32
      %add3A_25 = arith.addi %add3A_24, %mul3A_23 : i32
      %iota3A = tpu.iota {dimensions = array<i32: 0>} : vector<16xi32>
      %add3A_26 = vector.broadcast %add3A_25 : i32 to vector<16xi32>
      %add3A_27 = arith.addi %iota3A, %add3A_26 : vector<16xi32>
      %swap3A = arith.index_cast %add3A_25 : i32 to index
      %swap3A_28 = tpu.vector_load %arg8[%swap3A] {strides = array<i32>} : memref<80xi32, #tpu.memory_space<vmem>>, vector<16xi32>,
      tpu.vector_store %arg8[%swap3A], %add3A_27 {strides = array<i32>} : memref<80xi32, #tpu.memory_space<vmem>>, vector<16xi32>,
    }
    %scan3A_8 = arith.constant 5 : i32
    %barrier3A = arith.constant 0 : index
    tpu.barrier barrier_id(%barrier3A)
    %broadcast_in_dim3A = arith.constant 1.000000e+00 : f32
    %broadcast_in_dim3A_9 = vector.broadcast %broadcast_in_dim3A : f32 to vector<16xf32>
    %scan3A_10 = arith.constant 0 : i32
    %scan3A_11 = arith.constant 4 : i32
    %scan3A_12 = arith.addi %scan3A_10, %scan3A_11 : i32
    %scan3A_13 = arith.constant 1 : i32
    scf.for %scan3A_21 = %scan3A_10 to %scan3A_12 step %scan3A_13  : i32 {
      %mul3A_22 = arith.constant 1 : i32
      %mul3A_23 = arith.muli %scan3A_21, %mul3A_22 : i32
      %add3A_24 = arith.constant 0 : i32
      %add3A_25 = arith.addi %add3A_24, %mul3A_23 : i32
      %mul3A_26 = arith.constant 160 : i32
      %mul3A_27 = arith.muli %add3A, %mul3A_26 : i32
      %mul3A_28 = arith.constant 40 : i32
      %mul3A_29 = arith.muli %add3A_25, %mul3A_28 : i32
      %add3A_30 = arith.addi %mul3A_27, %mul3A_29 : i32
      "tpu.region"() ({
        %run_scoped3A = tpu.sem_alloc : memref<!tpu.dma_semaphore, #tpu.memory_space<semaphore_mem>>
        %dma_start3A = arith.constant 0 : i32
        %dma_start3A_36 = tpu.memref_slice %arg2[%add3A_30, %dma_start3A] : memref<5120x64xi32, #tpu.memory_space<hbm>> -> memref<40x64xi32, #tpu.memory_space<hbm>>
        %dma_start3A_37 = arith.constant 0 : i32
        %dma_start3A_38 = tpu.memref_slice %arg2[%add3A_30, %dma_start3A_37] : memref<5120x64xi32, #tpu.memory_space<hbm>> -> memref<40x64xi32, #tpu.memory_space<hbm>>
        tpu.enqueue_dma source(%dma_start3A_38 : memref<40x64xi32, #tpu.memory_space<hbm>>) target(%arg7 : memref<40x64xi32, #tpu.memory_space<vmem>>) target_semaphore(%run_scoped3A : memref<!tpu.dma_semaphore, #tpu.memory_space<semaphore_mem>>)
        %dma_wait3A = arith.constant 0 : i32
        %dma_wait3A_39 = tpu.memref_slice %arg2[%add3A_30, %dma_wait3A] : memref<5120x64xi32, #tpu.memory_space<hbm>> -> memref<40x64xi32, #tpu.memory_space<hbm>>
        %dma_wait3A_40 = arith.constant 0 : i32
        %dma_wait3A_41 = tpu.memref_slice %arg2[%add3A_30, %dma_wait3A_40] : memref<5120x64xi32, #tpu.memory_space<hbm>> -> memref<40x64xi32, #tpu.memory_space<hbm>>
        tpu.wait_dma2 semaphore(%run_scoped3A : memref<!tpu.dma_semaphore, #tpu.memory_space<semaphore_mem>>) src(%dma_wait3A_41 : memref<40x64xi32, #tpu.memory_space<hbm>>) dst(%arg7 : memref<40x64xi32, #tpu.memory_space<vmem>>)
        tpu.yield
      }) : () -> ()
      %scan3A_31 = arith.constant 0 : i32
      %scan3A_32 = arith.constant 40 : i32
      %scan3A_33 = arith.addi %scan3A_31, %scan3A_32 : i32
      %scan3A_34 = arith.constant 1 : i32
      scf.for %scan3A_36 = %scan3A_31 to %scan3A_33 step %scan3A_34  : i32 {
        %mul3A_37 = arith.constant 1 : i32
        %mul3A_38 = arith.muli %scan3A_36, %mul3A_37 : i32
        %add3A_39 = arith.constant 0 : i32
        %add3A_40 = arith.addi %add3A_39, %mul3A_38 : i32
        %scan3A_41 = arith.constant 0 : i32
        %scan3A_42 = arith.constant 4 : i32
        %scan3A_43 = arith.addi %scan3A_41, %scan3A_42 : i32
        %scan3A_44 = arith.constant 1 : i32
        scf.for %scan3A_46 = %scan3A_41 to %scan3A_43 step %scan3A_44  : i32 {
          %mul3A_47 = arith.constant 16 : i32
          %mul3A_48 = arith.muli %scan3A_46, %mul3A_47 : i32
          %add3A_49 = arith.constant 0 : i32
          %add3A_50 = arith.addi %add3A_49, %mul3A_48 : i32
          %get3A = arith.index_cast %add3A_40 : i32 to index
          %get3A_51 = arith.index_cast %add3A_50 : i32 to index
          %get3A_52 = tpu.vector_load %arg7[%get3A, %get3A_51] {strides = array<i32>} : memref<40x64xi32, #tpu.memory_space<vmem>>, vector<16xi32>,
          %shift_right_arithmetic3A = arith.constant 7 : i32
          %shift_right_arithmetic3A_53 = vector.broadcast %shift_right_arithmetic3A : i32 to vector<16xi32>
          %shift_right_arithmetic3A_54 = arith.shrsi %get3A_52, %shift_right_arithmetic3A_53 : vector<16xi32>
          %and3A = arith.constant 127 : i32
          %and3A_55 = vector.broadcast %and3A : i32 to vector<16xi32>
          %and3A_56 = arith.andi %get3A_52, %and3A_55 : vector<16xi32>
          tpu.vector_store_idx %arg6[%shift_right_arithmetic3A_54, %and3A_56], %broadcast_in_dim3A_9 {add = true} : memref<80x128xf32, #tpu.memory_space<vmem>>[vector<16xi32>, vector<16xi32>], vector<16xf32>,
        }
        %scan3A_45 = arith.constant 4 : i32
      }
      %scan3A_35 = arith.constant 40 : i32
    }
    %scan3A_14 = arith.constant 4 : i32
    "tpu.region"() ({
      %run_scoped3A = tpu.sem_alloc : memref<!tpu.dma_semaphore, #tpu.memory_space<semaphore_mem>>
      %dma_start3A = arith.constant 0 : i32
      %dma_start3A_21 = arith.constant 0 : i32
      %dma_start3A_22 = tpu.memref_slice %arg5[%dma_start3A, %dma_start3A_21] : memref<80x128xf32, #tpu.memory_space<vmem_shared>> -> memref<80x128xf32, #tpu.memory_space<vmem_shared>>
      tpu.enqueue_indirect_dma source(%arg6 : memref<80x128xf32, #tpu.memory_space<vmem>>) target(%dma_start3A_22 : memref<80x128xf32, #tpu.memory_space<vmem_shared>>) offsets(%arg8 : memref<80xi32, #tpu.memory_space<vmem>>) semaphore(%run_scoped3A : memref<!tpu.dma_semaphore, #tpu.memory_space<semaphore_mem>>) {add = true}
      %dma_wait3A = arith.constant 0 : i32
      %dma_wait3A_23 = arith.constant 0 : i32
      %dma_wait3A_24 = tpu.memref_slice %arg5[%dma_wait3A, %dma_wait3A_23] : memref<80x128xf32, #tpu.memory_space<vmem_shared>> -> memref<80x128xf32, #tpu.memory_space<vmem_shared>>
      tpu.wait_indirect_dma semaphore(%run_scoped3A : memref<!tpu.dma_semaphore, #tpu.memory_space<semaphore_mem>>) src(%arg6 : memref<80x128xf32, #tpu.memory_space<vmem>>) dst(%dma_wait3A_24 : memref<80x128xf32, #tpu.memory_space<vmem_shared>>)
      tpu.yield
    }) : () -> ()
    %barrier3A_15 = arith.constant 0 : index
    tpu.barrier barrier_id(%barrier3A_15)
    %lt3A_16 = arith.constant 10 : i32
    %lt3A_17 = arith.cmpi slt, %arg1, %lt3A_16 : i32
    %convert_element_type3A_18 = arith.extui %lt3A_17 : i1 to i32
    %cond3A_19 = arith.constant 0 : i32
    %cond3A_20 = arith.cmpi ne, %convert_element_type3A_18, %cond3A_19 : i32
    scf.if %cond3A_20 {
      "tpu.region"() ({
        %run_scoped3A = tpu.sem_alloc : memref<!tpu.dma_semaphore, #tpu.memory_space<semaphore_mem>>
        %dma_start3A = arith.constant 0 : i32
        %dma_start3A_21 = arith.constant 0 : i32
        %dma_start3A_22 = tpu.memref_slice %arg4[%arg0, %dma_start3A, %dma_start3A_21] : memref<2x80x128xf32, #tpu.memory_space<hbm>> -> memref<1x80x128xf32, #tpu.memory_space<hbm>>
        %dma_start3A_23 = tpu.memref_squeeze %dma_start3A_22 : memref<1x80x128xf32, #tpu.memory_space<hbm>> -> memref<80x128xf32, #tpu.memory_space<hbm>>
        %dma_start3A_24 = arith.constant 0 : i32
        %dma_start3A_25 = tpu.memref_slice %dma_start3A_23[%mul3A_2, %dma_start3A_24] : memref<80x128xf32, #tpu.memory_space<hbm>> -> memref<8x128xf32, #tpu.memory_space<hbm>>
        %dma_start3A_26 = arith.constant 0 : i32
        %dma_start3A_27 = tpu.memref_slice %arg5[%mul3A_2, %dma_start3A_26] : memref<80x128xf32, #tpu.memory_space<vmem_shared>> -> memref<8x128xf32, #tpu.memory_space<vmem_shared>>
        tpu.enqueue_dma source(%dma_start3A_27 : memref<8x128xf32, #tpu.memory_space<vmem_shared>>) target(%dma_start3A_25 : memref<8x128xf32, #tpu.memory_space<hbm>>) target_semaphore(%run_scoped3A : memref<!tpu.dma_semaphore, #tpu.memory_space<semaphore_mem>>)
        %dma_wait3A = arith.constant 0 : i32
        %dma_wait3A_28 = arith.constant 0 : i32
        %dma_wait3A_29 = tpu.memref_slice %arg4[%arg0, %dma_wait3A, %dma_wait3A_28] : memref<2x80x128xf32, #tpu.memory_space<hbm>> -> memref<1x80x128xf32, #tpu.memory_space<hbm>>
        %dma_wait3A_30 = tpu.memref_squeeze %dma_wait3A_29 : memref<1x80x128xf32, #tpu.memory_space<hbm>> -> memref<80x128xf32, #tpu.memory_space<hbm>>
        %dma_wait3A_31 = arith.constant 0 : i32
        %dma_wait3A_32 = tpu.memref_slice %dma_wait3A_30[%mul3A_2, %dma_wait3A_31] : memref<80x128xf32, #tpu.memory_space<hbm>> -> memref<8x128xf32, #tpu.memory_space<hbm>>
        %dma_wait3A_33 = arith.constant 0 : i32
        %dma_wait3A_34 = tpu.memref_slice %arg5[%mul3A_2, %dma_wait3A_33] : memref<80x128xf32, #tpu.memory_space<vmem_shared>> -> memref<8x128xf32, #tpu.memory_space<vmem_shared>>
        tpu.wait_dma2 semaphore(%run_scoped3A : memref<!tpu.dma_semaphore, #tpu.memory_space<semaphore_mem>>) src(%dma_wait3A_34 : memref<8x128xf32, #tpu.memory_space<vmem_shared>>) dst(%dma_wait3A_32 : memref<8x128xf32, #tpu.memory_space<hbm>>)
        tpu.yield
      }) : () -> ()
    } else {
    }
    return
  }
}

#map = affine_map<(d0, d1) -> (0, 0)>
#map1 = affine_map<(d0, d1) -> (0, 0, 0)>
module attributes {stable_mosaic.version = 14 : i64} {
  func.func @_sc_segment_sum(%arg0: i32, %arg1: i32, %arg2: memref<10000x128xf32, #tpu.memory_space<hbm>>, %arg3: memref<5120x64xi32, #tpu.memory_space<hbm>>, %arg4: memref<5120x64xi32, #tpu.memory_space<hbm>>, %arg5: memref<10240x128xf32, #tpu.memory_space<hbm>>, %arg6: memref<2x10240x128xf32, #tpu.memory_space<hbm>>, %arg7: memref<10240x128xf32, #tpu.memory_space<vmem_shared>>, %arg8: memref<40x64xi32, #tpu.memory_space<vmem>>, %arg9: memref<40x64xi32, #tpu.memory_space<vmem>>, %arg10: memref<64x128xf32, #tpu.memory_space<vmem>>, %arg11: memref<64x128xf32, #tpu.memory_space<vmem>>, %arg12: memref<!tpu.dma_semaphore, #tpu.memory_space<semaphore_mem>>, %arg13: memref<!tpu.dma_semaphore, #tpu.memory_space<semaphore_mem>>) attributes {dimension_semantics = [#tpu.dimension_semantics<core_parallel>, #tpu.dimension_semantics<subcore_parallel>], iteration_bounds = array<i64: 2, 16>, scalar_prefetch = 0 : i64, scratch_operands = 7 : i64, tpu.core_type = #tpu.core_type<sc_vector_subcore>, window_params = [{transform_indices = #map}, {transform_indices = #map}, {transform_indices = #map}, {transform_indices = #map}, {transform_indices = #map1}]} {
    %eq3A = arith.constant 0 : i32
    %eq3A_0 = arith.cmpi eq, %arg0, %eq3A : i32
    %mul3A = arith.constant 200 : i32
    %mul3A_1 = arith.muli %arg1, %mul3A : i32
    %mul3A_2 = arith.constant 120 : i32
    %mul3A_3 = arith.muli %arg1, %mul3A_2 : i32
    %add3A = arith.constant 3200 : i32
    %add3A_4 = arith.addi %add3A, %mul3A_3 : i32
    %select_n3A = arith.select %eq3A_0, %mul3A_1, %add3A_4 : i32
    %mul3A_5 = arith.constant 640 : i32
    %mul3A_6 = arith.muli %arg1, %mul3A_5 : i32
    "tpu.region"() ({
      %run_scoped3A = tpu.sem_alloc : memref<!tpu.dma_semaphore, #tpu.memory_space<semaphore_mem>>
      %dma_start3A = arith.constant 0 : i32
      %dma_start3A_12 = tpu.memref_slice %arg7[%mul3A_6, %dma_start3A] : memref<10240x128xf32, #tpu.memory_space<vmem_shared>> -> memref<640x128xf32, #tpu.memory_space<vmem_shared>>
      %dma_start3A_13 = arith.constant 0 : i32
      %dma_start3A_14 = tpu.memref_slice %arg5[%mul3A_6, %dma_start3A_13] : memref<10240x128xf32, #tpu.memory_space<hbm>> -> memref<640x128xf32, #tpu.memory_space<hbm>>
      tpu.enqueue_dma source(%dma_start3A_14 : memref<640x128xf32, #tpu.memory_space<hbm>>) target(%dma_start3A_12 : memref<640x128xf32, #tpu.memory_space<vmem_shared>>) target_semaphore(%run_scoped3A : memref<!tpu.dma_semaphore, #tpu.memory_space<semaphore_mem>>)
      %dma_wait3A = arith.constant 0 : i32
      %dma_wait3A_15 = tpu.memref_slice %arg7[%mul3A_6, %dma_wait3A] : memref<10240x128xf32, #tpu.memory_space<vmem_shared>> -> memref<640x128xf32, #tpu.memory_space<vmem_shared>>
      %dma_wait3A_16 = arith.constant 0 : i32
      %dma_wait3A_17 = tpu.memref_slice %arg5[%mul3A_6, %dma_wait3A_16] : memref<10240x128xf32, #tpu.memory_space<hbm>> -> memref<640x128xf32, #tpu.memory_space<hbm>>
      tpu.wait_dma2 semaphore(%run_scoped3A : memref<!tpu.dma_semaphore, #tpu.memory_space<semaphore_mem>>) src(%dma_wait3A_17 : memref<640x128xf32, #tpu.memory_space<hbm>>) dst(%dma_wait3A_15 : memref<640x128xf32, #tpu.memory_space<vmem_shared>>)
      tpu.yield
    }) : () -> ()
    %barrier3A = arith.constant 0 : index
    tpu.barrier barrier_id(%barrier3A)
    %scan3A = arith.constant 0 : i32
    %scan3A_7 = arith.constant 5 : i32
    %scan3A_8 = arith.addi %scan3A, %scan3A_7 : i32
    %scan3A_9 = arith.constant 1 : i32
    scf.for %scan3A_12 = %scan3A to %scan3A_8 step %scan3A_9  : i32 {
      %mul3A_13 = arith.constant 1 : i32
      %mul3A_14 = arith.muli %scan3A_12, %mul3A_13 : i32
      %add3A_15 = arith.constant 0 : i32
      %add3A_16 = arith.addi %add3A_15, %mul3A_14 : i32
      %lt3A = arith.constant 3 : i32
      %lt3A_17 = arith.cmpi slt, %add3A_16, %lt3A : i32
      %or3A = arith.ori %eq3A_0, %lt3A_17 : i1
      %convert_element_type3A = arith.extui %or3A : i1 to i32
      %cond3A = arith.constant 0 : i32
      %cond3A_18 = arith.cmpi ne, %convert_element_type3A, %cond3A : i32
      scf.if %cond3A_18 {
        %mul3A_19 = arith.constant 40 : i32
        %mul3A_20 = arith.muli %add3A_16, %mul3A_19 : i32
        %add3A_21 = arith.addi %select_n3A, %mul3A_20 : i32
        "tpu.region"() ({
          %run_scoped3A = tpu.sem_alloc : memref<!tpu.dma_semaphore, #tpu.memory_space<semaphore_mem>>
          %dma_start3A_40 = arith.constant 0 : i32
          %dma_start3A_41 = tpu.memref_slice %arg3[%add3A_21, %dma_start3A_40] : memref<5120x64xi32, #tpu.memory_space<hbm>> -> memref<40x64xi32, #tpu.memory_space<hbm>>
          %dma_start3A_42 = arith.constant 0 : i32
          %dma_start3A_43 = tpu.memref_slice %arg3[%add3A_21, %dma_start3A_42] : memref<5120x64xi32, #tpu.memory_space<hbm>> -> memref<40x64xi32, #tpu.memory_space<hbm>>
          tpu.enqueue_dma source(%dma_start3A_43 : memref<40x64xi32, #tpu.memory_space<hbm>>) target(%arg8 : memref<40x64xi32, #tpu.memory_space<vmem>>) target_semaphore(%run_scoped3A : memref<!tpu.dma_semaphore, #tpu.memory_space<semaphore_mem>>)
          %dma_wait3A = arith.constant 0 : i32
          %dma_wait3A_44 = tpu.memref_slice %arg3[%add3A_21, %dma_wait3A] : memref<5120x64xi32, #tpu.memory_space<hbm>> -> memref<40x64xi32, #tpu.memory_space<hbm>>
          %dma_wait3A_45 = arith.constant 0 : i32
          %dma_wait3A_46 = tpu.memref_slice %arg3[%add3A_21, %dma_wait3A_45] : memref<5120x64xi32, #tpu.memory_space<hbm>> -> memref<40x64xi32, #tpu.memory_space<hbm>>
          tpu.wait_dma2 semaphore(%run_scoped3A : memref<!tpu.dma_semaphore, #tpu.memory_space<semaphore_mem>>) src(%dma_wait3A_46 : memref<40x64xi32, #tpu.memory_space<hbm>>) dst(%arg8 : memref<40x64xi32, #tpu.memory_space<vmem>>)
          tpu.yield
        }) : () -> ()
        "tpu.region"() ({
          %run_scoped3A = tpu.sem_alloc : memref<!tpu.dma_semaphore, #tpu.memory_space<semaphore_mem>>
          %dma_start3A_40 = arith.constant 0 : i32
          %dma_start3A_41 = tpu.memref_slice %arg4[%add3A_21, %dma_start3A_40] : memref<5120x64xi32, #tpu.memory_space<hbm>> -> memref<40x64xi32, #tpu.memory_space<hbm>>
          %dma_start3A_42 = arith.constant 0 : i32
          %dma_start3A_43 = tpu.memref_slice %arg4[%add3A_21, %dma_start3A_42] : memref<5120x64xi32, #tpu.memory_space<hbm>> -> memref<40x64xi32, #tpu.memory_space<hbm>>
          tpu.enqueue_dma source(%dma_start3A_43 : memref<40x64xi32, #tpu.memory_space<hbm>>) target(%arg9 : memref<40x64xi32, #tpu.memory_space<vmem>>) target_semaphore(%run_scoped3A : memref<!tpu.dma_semaphore, #tpu.memory_space<semaphore_mem>>)
          %dma_wait3A = arith.constant 0 : i32
          %dma_wait3A_44 = tpu.memref_slice %arg4[%add3A_21, %dma_wait3A] : memref<5120x64xi32, #tpu.memory_space<hbm>> -> memref<40x64xi32, #tpu.memory_space<hbm>>
          %dma_wait3A_45 = arith.constant 0 : i32
          %dma_wait3A_46 = tpu.memref_slice %arg4[%add3A_21, %dma_wait3A_45] : memref<5120x64xi32, #tpu.memory_space<hbm>> -> memref<40x64xi32, #tpu.memory_space<hbm>>
          tpu.wait_dma2 semaphore(%run_scoped3A : memref<!tpu.dma_semaphore, #tpu.memory_space<semaphore_mem>>) src(%dma_wait3A_46 : memref<40x64xi32, #tpu.memory_space<hbm>>) dst(%arg9 : memref<40x64xi32, #tpu.memory_space<vmem>>)
          tpu.yield
        }) : () -> ()
        %dma_start3A = arith.constant 0 : i32
        %dma_start3A_22 = arith.constant 0 : i32
        %dma_start3A_23 = tpu.memref_slice %arg8[%dma_start3A, %dma_start3A_22] : memref<40x64xi32, #tpu.memory_space<vmem>> -> memref<1x64xi32, #tpu.memory_space<vmem>>
        %dma_start3A_24 = tpu.memref_squeeze %dma_start3A_23 : memref<1x64xi32, #tpu.memory_space<vmem>> -> memref<64xi32, #tpu.memory_space<vmem>>
        %dma_start3A_25 = arith.constant 0 : i32
        %dma_start3A_26 = arith.constant 0 : i32
        %dma_start3A_27 = tpu.memref_slice %arg2[%dma_start3A_25, %dma_start3A_26] : memref<10000x128xf32, #tpu.memory_space<hbm>> -> memref<10000x128xf32, #tpu.memory_space<hbm>>
        tpu.enqueue_indirect_dma source(%dma_start3A_27 : memref<10000x128xf32, #tpu.memory_space<hbm>>) target(%arg10 : memref<64x128xf32, #tpu.memory_space<vmem>>) offsets(%dma_start3A_24 : memref<64xi32, #tpu.memory_space<vmem>>) semaphore(%arg12 : memref<!tpu.dma_semaphore, #tpu.memory_space<semaphore_mem>>)
        %dma_start3A_28 = arith.constant 1 : i32
        %dma_start3A_29 = arith.constant 0 : i32
        %dma_start3A_30 = tpu.memref_slice %arg8[%dma_start3A_28, %dma_start3A_29] : memref<40x64xi32, #tpu.memory_space<vmem>> -> memref<1x64xi32, #tpu.memory_space<vmem>>
        %dma_start3A_31 = tpu.memref_squeeze %dma_start3A_30 : memref<1x64xi32, #tpu.memory_space<vmem>> -> memref<64xi32, #tpu.memory_space<vmem>>
        %dma_start3A_32 = arith.constant 0 : i32
        %dma_start3A_33 = arith.constant 0 : i32
        %dma_start3A_34 = tpu.memref_slice %arg2[%dma_start3A_32, %dma_start3A_33] : memref<10000x128xf32, #tpu.memory_space<hbm>> -> memref<10000x128xf32, #tpu.memory_space<hbm>>
        tpu.enqueue_indirect_dma source(%dma_start3A_34 : memref<10000x128xf32, #tpu.memory_space<hbm>>) target(%arg11 : memref<64x128xf32, #tpu.memory_space<vmem>>) offsets(%dma_start3A_31 : memref<64xi32, #tpu.memory_space<vmem>>) semaphore(%arg13 : memref<!tpu.dma_semaphore, #tpu.memory_space<semaphore_mem>>)
        %scan3A_35 = arith.constant 0 : i32
        %scan3A_36 = arith.constant 20 : i32
        %scan3A_37 = arith.addi %scan3A_35, %scan3A_36 : i32
        %scan3A_38 = arith.constant 1 : i32
        scf.for %scan3A_40 = %scan3A_35 to %scan3A_37 step %scan3A_38  : i32 {
          %mul3A_41 = arith.constant 2 : i32
          %mul3A_42 = arith.muli %scan3A_40, %mul3A_41 : i32
          %add3A_43 = arith.constant 0 : i32
          %add3A_44 = arith.addi %add3A_43, %mul3A_42 : i32
          %dma_wait3A = arith.constant 0 : i32
          %dma_wait3A_45 = tpu.memref_slice %arg8[%add3A_44, %dma_wait3A] : memref<40x64xi32, #tpu.memory_space<vmem>> -> memref<1x64xi32, #tpu.memory_space<vmem>>
          %dma_wait3A_46 = tpu.memref_squeeze %dma_wait3A_45 : memref<1x64xi32, #tpu.memory_space<vmem>> -> memref<64xi32, #tpu.memory_space<vmem>>
          %dma_wait3A_47 = arith.constant 0 : i32
          %dma_wait3A_48 = arith.constant 0 : i32
          %dma_wait3A_49 = tpu.memref_slice %arg2[%dma_wait3A_47, %dma_wait3A_48] : memref<10000x128xf32, #tpu.memory_space<hbm>> -> memref<10000x128xf32, #tpu.memory_space<hbm>>
          tpu.wait_indirect_dma semaphore(%arg12 : memref<!tpu.dma_semaphore, #tpu.memory_space<semaphore_mem>>) src(%dma_wait3A_49 : memref<10000x128xf32, #tpu.memory_space<hbm>>) dst(%arg10 : memref<64x128xf32, #tpu.memory_space<vmem>>)
          "tpu.region"() ({
            %run_scoped3A = tpu.sem_alloc : memref<!tpu.dma_semaphore, #tpu.memory_space<semaphore_mem>>
            %dma_start3A_74 = arith.constant 0 : i32
            %dma_start3A_75 = tpu.memref_slice %arg9[%add3A_44, %dma_start3A_74] : memref<40x64xi32, #tpu.memory_space<vmem>> -> memref<1x64xi32, #tpu.memory_space<vmem>>
            %dma_start3A_76 = tpu.memref_squeeze %dma_start3A_75 : memref<1x64xi32, #tpu.memory_space<vmem>> -> memref<64xi32, #tpu.memory_space<vmem>>
            %dma_start3A_77 = arith.constant 0 : i32
            %dma_start3A_78 = arith.constant 0 : i32
            %dma_start3A_79 = tpu.memref_slice %arg7[%dma_start3A_77, %dma_start3A_78] : memref<10240x128xf32, #tpu.memory_space<vmem_shared>> -> memref<10240x128xf32, #tpu.memory_space<vmem_shared>>
            tpu.enqueue_indirect_dma source(%arg10 : memref<64x128xf32, #tpu.memory_space<vmem>>) target(%dma_start3A_79 : memref<10240x128xf32, #tpu.memory_space<vmem_shared>>) offsets(%dma_start3A_76 : memref<64xi32, #tpu.memory_space<vmem>>) semaphore(%run_scoped3A : memref<!tpu.dma_semaphore, #tpu.memory_space<semaphore_mem>>) {add = true}
            %dma_wait3A_80 = arith.constant 0 : i32
            %dma_wait3A_81 = tpu.memref_slice %arg9[%add3A_44, %dma_wait3A_80] : memref<40x64xi32, #tpu.memory_space<vmem>> -> memref<1x64xi32, #tpu.memory_space<vmem>>
            %dma_wait3A_82 = tpu.memref_squeeze %dma_wait3A_81 : memref<1x64xi32, #tpu.memory_space<vmem>> -> memref<64xi32, #tpu.memory_space<vmem>>
            %dma_wait3A_83 = arith.constant 0 : i32
            %dma_wait3A_84 = arith.constant 0 : i32
            %dma_wait3A_85 = tpu.memref_slice %arg7[%dma_wait3A_83, %dma_wait3A_84] : memref<10240x128xf32, #tpu.memory_space<vmem_shared>> -> memref<10240x128xf32, #tpu.memory_space<vmem_shared>>
            tpu.wait_indirect_dma semaphore(%run_scoped3A : memref<!tpu.dma_semaphore, #tpu.memory_space<semaphore_mem>>) src(%arg10 : memref<64x128xf32, #tpu.memory_space<vmem>>) dst(%dma_wait3A_85 : memref<10240x128xf32, #tpu.memory_space<vmem_shared>>)
            tpu.yield
          }) : () -> ()
          %add3A_50 = arith.constant 2 : i32
          %add3A_51 = arith.addi %add3A_44, %add3A_50 : i32
          %lt3A_52 = arith.constant 40 : i32
          %lt3A_53 = arith.cmpi slt, %add3A_51, %lt3A_52 : i32
          %convert_element_type3A_54 = arith.extui %lt3A_53 : i1 to i32
          %cond3A_55 = arith.constant 0 : i32
          %cond3A_56 = arith.cmpi ne, %convert_element_type3A_54, %cond3A_55 : i32
          scf.if %cond3A_56 {
            %add3A_74 = arith.constant 2 : i32
            %add3A_75 = arith.addi %add3A_44, %add3A_74 : i32
            %dma_start3A_76 = arith.constant 0 : i32
            %dma_start3A_77 = tpu.memref_slice %arg8[%add3A_75, %dma_start3A_76] : memref<40x64xi32, #tpu.memory_space<vmem>> -> memref<1x64xi32, #tpu.memory_space<vmem>>
            %dma_start3A_78 = tpu.memref_squeeze %dma_start3A_77 : memref<1x64xi32, #tpu.memory_space<vmem>> -> memref<64xi32, #tpu.memory_space<vmem>>
            %dma_start3A_79 = arith.constant 0 : i32
            %dma_start3A_80 = arith.constant 0 : i32
            %dma_start3A_81 = tpu.memref_slice %arg2[%dma_start3A_79, %dma_start3A_80] : memref<10000x128xf32, #tpu.memory_space<hbm>> -> memref<10000x128xf32, #tpu.memory_space<hbm>>
            tpu.enqueue_indirect_dma source(%dma_start3A_81 : memref<10000x128xf32, #tpu.memory_space<hbm>>) target(%arg10 : memref<64x128xf32, #tpu.memory_space<vmem>>) offsets(%dma_start3A_78 : memref<64xi32, #tpu.memory_space<vmem>>) semaphore(%arg12 : memref<!tpu.dma_semaphore, #tpu.memory_space<semaphore_mem>>)
          } else {
          }
          %add3A_57 = arith.constant 1 : i32
          %add3A_58 = arith.addi %add3A_44, %add3A_57 : i32
          %dma_wait3A_59 = arith.constant 0 : i32
          %dma_wait3A_60 = tpu.memref_slice %arg8[%add3A_58, %dma_wait3A_59] : memref<40x64xi32, #tpu.memory_space<vmem>> -> memref<1x64xi32, #tpu.memory_space<vmem>>
          %dma_wait3A_61 = tpu.memref_squeeze %dma_wait3A_60 : memref<1x64xi32, #tpu.memory_space<vmem>> -> memref<64xi32, #tpu.memory_space<vmem>>
          %dma_wait3A_62 = arith.constant 0 : i32
          %dma_wait3A_63 = arith.constant 0 : i32
          %dma_wait3A_64 = tpu.memref_slice %arg2[%dma_wait3A_62, %dma_wait3A_63] : memref<10000x128xf32, #tpu.memory_space<hbm>> -> memref<10000x128xf32, #tpu.memory_space<hbm>>
          tpu.wait_indirect_dma semaphore(%arg13 : memref<!tpu.dma_semaphore, #tpu.memory_space<semaphore_mem>>) src(%dma_wait3A_64 : memref<10000x128xf32, #tpu.memory_space<hbm>>) dst(%arg11 : memref<64x128xf32, #tpu.memory_space<vmem>>)
          %add3A_65 = arith.constant 1 : i32
          %add3A_66 = arith.addi %add3A_44, %add3A_65 : i32
          "tpu.region"() ({
            %run_scoped3A = tpu.sem_alloc : memref<!tpu.dma_semaphore, #tpu.memory_space<semaphore_mem>>
            %dma_start3A_74 = arith.constant 0 : i32
            %dma_start3A_75 = tpu.memref_slice %arg9[%add3A_66, %dma_start3A_74] : memref<40x64xi32, #tpu.memory_space<vmem>> -> memref<1x64xi32, #tpu.memory_space<vmem>>
            %dma_start3A_76 = tpu.memref_squeeze %dma_start3A_75 : memref<1x64xi32, #tpu.memory_space<vmem>> -> memref<64xi32, #tpu.memory_space<vmem>>
            %dma_start3A_77 = arith.constant 0 : i32
            %dma_start3A_78 = arith.constant 0 : i32
            %dma_start3A_79 = tpu.memref_slice %arg7[%dma_start3A_77, %dma_start3A_78] : memref<10240x128xf32, #tpu.memory_space<vmem_shared>> -> memref<10240x128xf32, #tpu.memory_space<vmem_shared>>
            tpu.enqueue_indirect_dma source(%arg11 : memref<64x128xf32, #tpu.memory_space<vmem>>) target(%dma_start3A_79 : memref<10240x128xf32, #tpu.memory_space<vmem_shared>>) offsets(%dma_start3A_76 : memref<64xi32, #tpu.memory_space<vmem>>) semaphore(%run_scoped3A : memref<!tpu.dma_semaphore, #tpu.memory_space<semaphore_mem>>) {add = true}
            %dma_wait3A_80 = arith.constant 0 : i32
            %dma_wait3A_81 = tpu.memref_slice %arg9[%add3A_66, %dma_wait3A_80] : memref<40x64xi32, #tpu.memory_space<vmem>> -> memref<1x64xi32, #tpu.memory_space<vmem>>
            %dma_wait3A_82 = tpu.memref_squeeze %dma_wait3A_81 : memref<1x64xi32, #tpu.memory_space<vmem>> -> memref<64xi32, #tpu.memory_space<vmem>>
            %dma_wait3A_83 = arith.constant 0 : i32
            %dma_wait3A_84 = arith.constant 0 : i32
            %dma_wait3A_85 = tpu.memref_slice %arg7[%dma_wait3A_83, %dma_wait3A_84] : memref<10240x128xf32, #tpu.memory_space<vmem_shared>> -> memref<10240x128xf32, #tpu.memory_space<vmem_shared>>
            tpu.wait_indirect_dma semaphore(%run_scoped3A : memref<!tpu.dma_semaphore, #tpu.memory_space<semaphore_mem>>) src(%arg11 : memref<64x128xf32, #tpu.memory_space<vmem>>) dst(%dma_wait3A_85 : memref<10240x128xf32, #tpu.memory_space<vmem_shared>>)
            tpu.yield
          }) : () -> ()
          %add3A_67 = arith.constant 3 : i32
          %add3A_68 = arith.addi %add3A_44, %add3A_67 : i32
          %lt3A_69 = arith.constant 40 : i32
          %lt3A_70 = arith.cmpi slt, %add3A_68, %lt3A_69 : i32
          %convert_element_type3A_71 = arith.extui %lt3A_70 : i1 to i32
          %cond3A_72 = arith.constant 0 : i32
          %cond3A_73 = arith.cmpi ne, %convert_element_type3A_71, %cond3A_72 : i32
          scf.if %cond3A_73 {
            %add3A_74 = arith.constant 3 : i32
            %add3A_75 = arith.addi %add3A_44, %add3A_74 : i32
            %dma_start3A_76 = arith.constant 0 : i32
            %dma_start3A_77 = tpu.memref_slice %arg8[%add3A_75, %dma_start3A_76] : memref<40x64xi32, #tpu.memory_space<vmem>> -> memref<1x64xi32, #tpu.memory_space<vmem>>
            %dma_start3A_78 = tpu.memref_squeeze %dma_start3A_77 : memref<1x64xi32, #tpu.memory_space<vmem>> -> memref<64xi32, #tpu.memory_space<vmem>>
            %dma_start3A_79 = arith.constant 0 : i32
            %dma_start3A_80 = arith.constant 0 : i32
            %dma_start3A_81 = tpu.memref_slice %arg2[%dma_start3A_79, %dma_start3A_80] : memref<10000x128xf32, #tpu.memory_space<hbm>> -> memref<10000x128xf32, #tpu.memory_space<hbm>>
            tpu.enqueue_indirect_dma source(%dma_start3A_81 : memref<10000x128xf32, #tpu.memory_space<hbm>>) target(%arg11 : memref<64x128xf32, #tpu.memory_space<vmem>>) offsets(%dma_start3A_78 : memref<64xi32, #tpu.memory_space<vmem>>) semaphore(%arg13 : memref<!tpu.dma_semaphore, #tpu.memory_space<semaphore_mem>>)
          } else {
          }
        }
        %scan3A_39 = arith.constant 20 : i32
      } else {
      }
    }
    %scan3A_10 = arith.constant 5 : i32
    %barrier3A_11 = arith.constant 0 : index
    tpu.barrier barrier_id(%barrier3A_11)
    "tpu.region"() ({
      %run_scoped3A = tpu.sem_alloc : memref<!tpu.dma_semaphore, #tpu.memory_space<semaphore_mem>>
      %dma_start3A = arith.constant 0 : i32
      %dma_start3A_12 = arith.constant 0 : i32
      %dma_start3A_13 = tpu.memref_slice %arg6[%arg0, %dma_start3A, %dma_start3A_12] : memref<2x10240x128xf32, #tpu.memory_space<hbm>> -> memref<1x10240x128xf32, #tpu.memory_space<hbm>>
      %dma_start3A_14 = tpu.memref_squeeze %dma_start3A_13 : memref<1x10240x128xf32, #tpu.memory_space<hbm>> -> memref<10240x128xf32, #tpu.memory_space<hbm>>
      %dma_start3A_15 = arith.constant 0 : i32
      %dma_start3A_16 = tpu.memref_slice %dma_start3A_14[%mul3A_6, %dma_start3A_15] : memref<10240x128xf32, #tpu.memory_space<hbm>> -> memref<640x128xf32, #tpu.memory_space<hbm>>
      %dma_start3A_17 = arith.constant 0 : i32
      %dma_start3A_18 = tpu.memref_slice %arg7[%mul3A_6, %dma_start3A_17] : memref<10240x128xf32, #tpu.memory_space<vmem_shared>> -> memref<640x128xf32, #tpu.memory_space<vmem_shared>>
      tpu.enqueue_dma source(%dma_start3A_18 : memref<640x128xf32, #tpu.memory_space<vmem_shared>>) target(%dma_start3A_16 : memref<640x128xf32, #tpu.memory_space<hbm>>) target_semaphore(%run_scoped3A : memref<!tpu.dma_semaphore, #tpu.memory_space<semaphore_mem>>)
      %dma_wait3A = arith.constant 0 : i32
      %dma_wait3A_19 = arith.constant 0 : i32
      %dma_wait3A_20 = tpu.memref_slice %arg6[%arg0, %dma_wait3A, %dma_wait3A_19] : memref<2x10240x128xf32, #tpu.memory_space<hbm>> -> memref<1x10240x128xf32, #tpu.memory_space<hbm>>
      %dma_wait3A_21 = tpu.memref_squeeze %dma_wait3A_20 : memref<1x10240x128xf32, #tpu.memory_space<hbm>> -> memref<10240x128xf32, #tpu.memory_space<hbm>>
      %dma_wait3A_22 = arith.constant 0 : i32
      %dma_wait3A_23 = tpu.memref_slice %dma_wait3A_21[%mul3A_6, %dma_wait3A_22] : memref<10240x128xf32, #tpu.memory_space<hbm>> -> memref<640x128xf32, #tpu.memory_space<hbm>>
      %dma_wait3A_24 = arith.constant 0 : i32
      %dma_wait3A_25 = tpu.memref_slice %arg7[%mul3A_6, %dma_wait3A_24] : memref<10240x128xf32, #tpu.memory_space<vmem_shared>> -> memref<640x128xf32, #tpu.memory_space<vmem_shared>>
      tpu.wait_dma2 semaphore(%run_scoped3A : memref<!tpu.dma_semaphore, #tpu.memory_space<semaphore_mem>>) src(%dma_wait3A_25 : memref<640x128xf32, #tpu.memory_space<vmem_shared>>) dst(%dma_wait3A_23 : memref<640x128xf32, #tpu.memory_space<hbm>>)
      tpu.yield
    }) : () -> ()
    return
  }
}

#map = affine_map<(d0, d1) -> (0, 0)>
#map1 = affine_map<(d0, d1) -> (0, 0, 0)>
module attributes {stable_mosaic.version = 14 : i64} {
  func.func @_sc_segment_sum(%arg0: i32, %arg1: i32, %arg2: memref<10000x128xf32, #tpu.memory_space<hbm>>, %arg3: memref<5120x64xi32, #tpu.memory_space<hbm>>, %arg4: memref<5120x64xi32, #tpu.memory_space<hbm>>, %arg5: memref<10240x128xf32, #tpu.memory_space<hbm>>, %arg6: memref<2x10240x128xf32, #tpu.memory_space<hbm>>, %arg7: memref<10240x128xf32, #tpu.memory_space<vmem_shared>>, %arg8: memref<40x64xi32, #tpu.memory_space<vmem>>, %arg9: memref<40x64xi32, #tpu.memory_space<vmem>>, %arg10: memref<64x128xf32, #tpu.memory_space<vmem>>, %arg11: memref<64x128xf32, #tpu.memory_space<vmem>>, %arg12: memref<!tpu.dma_semaphore, #tpu.memory_space<semaphore_mem>>, %arg13: memref<!tpu.dma_semaphore, #tpu.memory_space<semaphore_mem>>) attributes {dimension_semantics = [#tpu.dimension_semantics<core_parallel>, #tpu.dimension_semantics<subcore_parallel>], iteration_bounds = array<i64: 2, 16>, scalar_prefetch = 0 : i64, scratch_operands = 7 : i64, tpu.core_type = #tpu.core_type<sc_vector_subcore>, window_params = [{transform_indices = #map}, {transform_indices = #map}, {transform_indices = #map}, {transform_indices = #map}, {transform_indices = #map1}]} {
    %eq3A = arith.constant 0 : i32
    %eq3A_0 = arith.cmpi eq, %arg0, %eq3A : i32
    %mul3A = arith.constant 200 : i32
    %mul3A_1 = arith.muli %arg1, %mul3A : i32
    %mul3A_2 = arith.constant 120 : i32
    %mul3A_3 = arith.muli %arg1, %mul3A_2 : i32
    %add3A = arith.constant 3200 : i32
    %add3A_4 = arith.addi %add3A, %mul3A_3 : i32
    %select_n3A = arith.select %eq3A_0, %mul3A_1, %add3A_4 : i32
    %mul3A_5 = arith.constant 640 : i32
    %mul3A_6 = arith.muli %arg1, %mul3A_5 : i32
    "tpu.region"() ({
      %run_scoped3A = tpu.sem_alloc : memref<!tpu.dma_semaphore, #tpu.memory_space<semaphore_mem>>
      %dma_start3A = arith.constant 0 : i32
      %dma_start3A_12 = tpu.memref_slice %arg7[%mul3A_6, %dma_start3A] : memref<10240x128xf32, #tpu.memory_space<vmem_shared>> -> memref<640x128xf32, #tpu.memory_space<vmem_shared>>
      %dma_start3A_13 = arith.constant 0 : i32
      %dma_start3A_14 = tpu.memref_slice %arg5[%mul3A_6, %dma_start3A_13] : memref<10240x128xf32, #tpu.memory_space<hbm>> -> memref<640x128xf32, #tpu.memory_space<hbm>>
      tpu.enqueue_dma source(%dma_start3A_14 : memref<640x128xf32, #tpu.memory_space<hbm>>) target(%dma_start3A_12 : memref<640x128xf32, #tpu.memory_space<vmem_shared>>) target_semaphore(%run_scoped3A : memref<!tpu.dma_semaphore, #tpu.memory_space<semaphore_mem>>)
      %dma_wait3A = arith.constant 0 : i32
      %dma_wait3A_15 = tpu.memref_slice %arg7[%mul3A_6, %dma_wait3A] : memref<10240x128xf32, #tpu.memory_space<vmem_shared>> -> memref<640x128xf32, #tpu.memory_space<vmem_shared>>
      %dma_wait3A_16 = arith.constant 0 : i32
      %dma_wait3A_17 = tpu.memref_slice %arg5[%mul3A_6, %dma_wait3A_16] : memref<10240x128xf32, #tpu.memory_space<hbm>> -> memref<640x128xf32, #tpu.memory_space<hbm>>
      tpu.wait_dma2 semaphore(%run_scoped3A : memref<!tpu.dma_semaphore, #tpu.memory_space<semaphore_mem>>) src(%dma_wait3A_17 : memref<640x128xf32, #tpu.memory_space<hbm>>) dst(%dma_wait3A_15 : memref<640x128xf32, #tpu.memory_space<vmem_shared>>)
      tpu.yield
    }) : () -> ()
    %barrier3A = arith.constant 0 : index
    tpu.barrier barrier_id(%barrier3A)
    %scan3A = arith.constant 0 : i32
    %scan3A_7 = arith.constant 5 : i32
    %scan3A_8 = arith.addi %scan3A, %scan3A_7 : i32
    %scan3A_9 = arith.constant 1 : i32
    scf.for %scan3A_12 = %scan3A to %scan3A_8 step %scan3A_9  : i32 {
      %mul3A_13 = arith.constant 1 : i32
      %mul3A_14 = arith.muli %scan3A_12, %mul3A_13 : i32
      %add3A_15 = arith.constant 0 : i32
      %add3A_16 = arith.addi %add3A_15, %mul3A_14 : i32
      %lt3A = arith.constant 3 : i32
      %lt3A_17 = arith.cmpi slt, %add3A_16, %lt3A : i32
      %or3A = arith.ori %eq3A_0, %lt3A_17 : i1
      %convert_element_type3A = arith.extui %or3A : i1 to i32
      %cond3A = arith.constant 0 : i32
      %cond3A_18 = arith.cmpi ne, %convert_element_type3A, %cond3A : i32
      scf.if %cond3A_18 {
        %mul3A_19 = arith.constant 40 : i32
        %mul3A_20 = arith.muli %add3A_16, %mul3A_19 : i32
        %add3A_21 = arith.addi %select_n3A, %mul3A_20 : i32
        "tpu.region"() ({
          %run_scoped3A = tpu.sem_alloc : memref<!tpu.dma_semaphore, #tpu.memory_space<semaphore_mem>>
          %dma_start3A_40 = arith.constant 0 : i32
          %dma_start3A_41 = tpu.memref_slice %arg3[%add3A_21, %dma_start3A_40] : memref<5120x64xi32, #tpu.memory_space<hbm>> -> memref<40x64xi32, #tpu.memory_space<hbm>>
          %dma_start3A_42 = arith.constant 0 : i32
          %dma_start3A_43 = tpu.memref_slice %arg3[%add3A_21, %dma_start3A_42] : memref<5120x64xi32, #tpu.memory_space<hbm>> -> memref<40x64xi32, #tpu.memory_space<hbm>>
          tpu.enqueue_dma source(%dma_start3A_43 : memref<40x64xi32, #tpu.memory_space<hbm>>) target(%arg8 : memref<40x64xi32, #tpu.memory_space<vmem>>) target_semaphore(%run_scoped3A : memref<!tpu.dma_semaphore, #tpu.memory_space<semaphore_mem>>)
          %dma_wait3A = arith.constant 0 : i32
          %dma_wait3A_44 = tpu.memref_slice %arg3[%add3A_21, %dma_wait3A] : memref<5120x64xi32, #tpu.memory_space<hbm>> -> memref<40x64xi32, #tpu.memory_space<hbm>>
          %dma_wait3A_45 = arith.constant 0 : i32
          %dma_wait3A_46 = tpu.memref_slice %arg3[%add3A_21, %dma_wait3A_45] : memref<5120x64xi32, #tpu.memory_space<hbm>> -> memref<40x64xi32, #tpu.memory_space<hbm>>
          tpu.wait_dma2 semaphore(%run_scoped3A : memref<!tpu.dma_semaphore, #tpu.memory_space<semaphore_mem>>) src(%dma_wait3A_46 : memref<40x64xi32, #tpu.memory_space<hbm>>) dst(%arg8 : memref<40x64xi32, #tpu.memory_space<vmem>>)
          tpu.yield
        }) : () -> ()
        "tpu.region"() ({
          %run_scoped3A = tpu.sem_alloc : memref<!tpu.dma_semaphore, #tpu.memory_space<semaphore_mem>>
          %dma_start3A_40 = arith.constant 0 : i32
          %dma_start3A_41 = tpu.memref_slice %arg4[%add3A_21, %dma_start3A_40] : memref<5120x64xi32, #tpu.memory_space<hbm>> -> memref<40x64xi32, #tpu.memory_space<hbm>>
          %dma_start3A_42 = arith.constant 0 : i32
          %dma_start3A_43 = tpu.memref_slice %arg4[%add3A_21, %dma_start3A_42] : memref<5120x64xi32, #tpu.memory_space<hbm>> -> memref<40x64xi32, #tpu.memory_space<hbm>>
          tpu.enqueue_dma source(%dma_start3A_43 : memref<40x64xi32, #tpu.memory_space<hbm>>) target(%arg9 : memref<40x64xi32, #tpu.memory_space<vmem>>) target_semaphore(%run_scoped3A : memref<!tpu.dma_semaphore, #tpu.memory_space<semaphore_mem>>)
          %dma_wait3A = arith.constant 0 : i32
          %dma_wait3A_44 = tpu.memref_slice %arg4[%add3A_21, %dma_wait3A] : memref<5120x64xi32, #tpu.memory_space<hbm>> -> memref<40x64xi32, #tpu.memory_space<hbm>>
          %dma_wait3A_45 = arith.constant 0 : i32
          %dma_wait3A_46 = tpu.memref_slice %arg4[%add3A_21, %dma_wait3A_45] : memref<5120x64xi32, #tpu.memory_space<hbm>> -> memref<40x64xi32, #tpu.memory_space<hbm>>
          tpu.wait_dma2 semaphore(%run_scoped3A : memref<!tpu.dma_semaphore, #tpu.memory_space<semaphore_mem>>) src(%dma_wait3A_46 : memref<40x64xi32, #tpu.memory_space<hbm>>) dst(%arg9 : memref<40x64xi32, #tpu.memory_space<vmem>>)
          tpu.yield
        }) : () -> ()
        %dma_start3A = arith.constant 0 : i32
        %dma_start3A_22 = arith.constant 0 : i32
        %dma_start3A_23 = tpu.memref_slice %arg8[%dma_start3A, %dma_start3A_22] : memref<40x64xi32, #tpu.memory_space<vmem>> -> memref<1x64xi32, #tpu.memory_space<vmem>>
        %dma_start3A_24 = tpu.memref_squeeze %dma_start3A_23 : memref<1x64xi32, #tpu.memory_space<vmem>> -> memref<64xi32, #tpu.memory_space<vmem>>
        %dma_start3A_25 = arith.constant 0 : i32
        %dma_start3A_26 = arith.constant 0 : i32
        %dma_start3A_27 = tpu.memref_slice %arg2[%dma_start3A_25, %dma_start3A_26] : memref<10000x128xf32, #tpu.memory_space<hbm>> -> memref<10000x128xf32, #tpu.memory_space<hbm>>
        tpu.enqueue_indirect_dma source(%dma_start3A_27 : memref<10000x128xf32, #tpu.memory_space<hbm>>) target(%arg10 : memref<64x128xf32, #tpu.memory_space<vmem>>) offsets(%dma_start3A_24 : memref<64xi32, #tpu.memory_space<vmem>>) semaphore(%arg12 : memref<!tpu.dma_semaphore, #tpu.memory_space<semaphore_mem>>)
        %dma_start3A_28 = arith.constant 1 : i32
        %dma_start3A_29 = arith.constant 0 : i32
        %dma_start3A_30 = tpu.memref_slice %arg8[%dma_start3A_28, %dma_start3A_29] : memref<40x64xi32, #tpu.memory_space<vmem>> -> memref<1x64xi32, #tpu.memory_space<vmem>>
        %dma_start3A_31 = tpu.memref_squeeze %dma_start3A_30 : memref<1x64xi32, #tpu.memory_space<vmem>> -> memref<64xi32, #tpu.memory_space<vmem>>
        %dma_start3A_32 = arith.constant 0 : i32
        %dma_start3A_33 = arith.constant 0 : i32
        %dma_start3A_34 = tpu.memref_slice %arg2[%dma_start3A_32, %dma_start3A_33] : memref<10000x128xf32, #tpu.memory_space<hbm>> -> memref<10000x128xf32, #tpu.memory_space<hbm>>
        tpu.enqueue_indirect_dma source(%dma_start3A_34 : memref<10000x128xf32, #tpu.memory_space<hbm>>) target(%arg11 : memref<64x128xf32, #tpu.memory_space<vmem>>) offsets(%dma_start3A_31 : memref<64xi32, #tpu.memory_space<vmem>>) semaphore(%arg13 : memref<!tpu.dma_semaphore, #tpu.memory_space<semaphore_mem>>)
        %scan3A_35 = arith.constant 0 : i32
        %scan3A_36 = arith.constant 20 : i32
        %scan3A_37 = arith.addi %scan3A_35, %scan3A_36 : i32
        %scan3A_38 = arith.constant 1 : i32
        scf.for %scan3A_40 = %scan3A_35 to %scan3A_37 step %scan3A_38  : i32 {
          %mul3A_41 = arith.constant 2 : i32
          %mul3A_42 = arith.muli %scan3A_40, %mul3A_41 : i32
          %add3A_43 = arith.constant 0 : i32
          %add3A_44 = arith.addi %add3A_43, %mul3A_42 : i32
          %dma_wait3A = arith.constant 0 : i32
          %dma_wait3A_45 = tpu.memref_slice %arg8[%add3A_44, %dma_wait3A] : memref<40x64xi32, #tpu.memory_space<vmem>> -> memref<1x64xi32, #tpu.memory_space<vmem>>
          %dma_wait3A_46 = tpu.memref_squeeze %dma_wait3A_45 : memref<1x64xi32, #tpu.memory_space<vmem>> -> memref<64xi32, #tpu.memory_space<vmem>>
          %dma_wait3A_47 = arith.constant 0 : i32
          %dma_wait3A_48 = arith.constant 0 : i32
          %dma_wait3A_49 = tpu.memref_slice %arg2[%dma_wait3A_47, %dma_wait3A_48] : memref<10000x128xf32, #tpu.memory_space<hbm>> -> memref<10000x128xf32, #tpu.memory_space<hbm>>
          tpu.wait_indirect_dma semaphore(%arg12 : memref<!tpu.dma_semaphore, #tpu.memory_space<semaphore_mem>>) src(%dma_wait3A_49 : memref<10000x128xf32, #tpu.memory_space<hbm>>) dst(%arg10 : memref<64x128xf32, #tpu.memory_space<vmem>>)
          "tpu.region"() ({
            %run_scoped3A = tpu.sem_alloc : memref<!tpu.dma_semaphore, #tpu.memory_space<semaphore_mem>>
            %dma_start3A_74 = arith.constant 0 : i32
            %dma_start3A_75 = tpu.memref_slice %arg9[%add3A_44, %dma_start3A_74] : memref<40x64xi32, #tpu.memory_space<vmem>> -> memref<1x64xi32, #tpu.memory_space<vmem>>
            %dma_start3A_76 = tpu.memref_squeeze %dma_start3A_75 : memref<1x64xi32, #tpu.memory_space<vmem>> -> memref<64xi32, #tpu.memory_space<vmem>>
            %dma_start3A_77 = arith.constant 0 : i32
            %dma_start3A_78 = arith.constant 0 : i32
            %dma_start3A_79 = tpu.memref_slice %arg7[%dma_start3A_77, %dma_start3A_78] : memref<10240x128xf32, #tpu.memory_space<vmem_shared>> -> memref<10240x128xf32, #tpu.memory_space<vmem_shared>>
            tpu.enqueue_indirect_dma source(%arg10 : memref<64x128xf32, #tpu.memory_space<vmem>>) target(%dma_start3A_79 : memref<10240x128xf32, #tpu.memory_space<vmem_shared>>) offsets(%dma_start3A_76 : memref<64xi32, #tpu.memory_space<vmem>>) semaphore(%run_scoped3A : memref<!tpu.dma_semaphore, #tpu.memory_space<semaphore_mem>>) {add = true}
            %dma_wait3A_80 = arith.constant 0 : i32
            %dma_wait3A_81 = tpu.memref_slice %arg9[%add3A_44, %dma_wait3A_80] : memref<40x64xi32, #tpu.memory_space<vmem>> -> memref<1x64xi32, #tpu.memory_space<vmem>>
            %dma_wait3A_82 = tpu.memref_squeeze %dma_wait3A_81 : memref<1x64xi32, #tpu.memory_space<vmem>> -> memref<64xi32, #tpu.memory_space<vmem>>
            %dma_wait3A_83 = arith.constant 0 : i32
            %dma_wait3A_84 = arith.constant 0 : i32
            %dma_wait3A_85 = tpu.memref_slice %arg7[%dma_wait3A_83, %dma_wait3A_84] : memref<10240x128xf32, #tpu.memory_space<vmem_shared>> -> memref<10240x128xf32, #tpu.memory_space<vmem_shared>>
            tpu.wait_indirect_dma semaphore(%run_scoped3A : memref<!tpu.dma_semaphore, #tpu.memory_space<semaphore_mem>>) src(%arg10 : memref<64x128xf32, #tpu.memory_space<vmem>>) dst(%dma_wait3A_85 : memref<10240x128xf32, #tpu.memory_space<vmem_shared>>)
            tpu.yield
          }) : () -> ()
          %add3A_50 = arith.constant 2 : i32
          %add3A_51 = arith.addi %add3A_44, %add3A_50 : i32
          %lt3A_52 = arith.constant 40 : i32
          %lt3A_53 = arith.cmpi slt, %add3A_51, %lt3A_52 : i32
          %convert_element_type3A_54 = arith.extui %lt3A_53 : i1 to i32
          %cond3A_55 = arith.constant 0 : i32
          %cond3A_56 = arith.cmpi ne, %convert_element_type3A_54, %cond3A_55 : i32
          scf.if %cond3A_56 {
            %add3A_74 = arith.constant 2 : i32
            %add3A_75 = arith.addi %add3A_44, %add3A_74 : i32
            %dma_start3A_76 = arith.constant 0 : i32
            %dma_start3A_77 = tpu.memref_slice %arg8[%add3A_75, %dma_start3A_76] : memref<40x64xi32, #tpu.memory_space<vmem>> -> memref<1x64xi32, #tpu.memory_space<vmem>>
            %dma_start3A_78 = tpu.memref_squeeze %dma_start3A_77 : memref<1x64xi32, #tpu.memory_space<vmem>> -> memref<64xi32, #tpu.memory_space<vmem>>
            %dma_start3A_79 = arith.constant 0 : i32
            %dma_start3A_80 = arith.constant 0 : i32
            %dma_start3A_81 = tpu.memref_slice %arg2[%dma_start3A_79, %dma_start3A_80] : memref<10000x128xf32, #tpu.memory_space<hbm>> -> memref<10000x128xf32, #tpu.memory_space<hbm>>
            tpu.enqueue_indirect_dma source(%dma_start3A_81 : memref<10000x128xf32, #tpu.memory_space<hbm>>) target(%arg10 : memref<64x128xf32, #tpu.memory_space<vmem>>) offsets(%dma_start3A_78 : memref<64xi32, #tpu.memory_space<vmem>>) semaphore(%arg12 : memref<!tpu.dma_semaphore, #tpu.memory_space<semaphore_mem>>)
          } else {
          }
          %add3A_57 = arith.constant 1 : i32
          %add3A_58 = arith.addi %add3A_44, %add3A_57 : i32
          %dma_wait3A_59 = arith.constant 0 : i32
          %dma_wait3A_60 = tpu.memref_slice %arg8[%add3A_58, %dma_wait3A_59] : memref<40x64xi32, #tpu.memory_space<vmem>> -> memref<1x64xi32, #tpu.memory_space<vmem>>
          %dma_wait3A_61 = tpu.memref_squeeze %dma_wait3A_60 : memref<1x64xi32, #tpu.memory_space<vmem>> -> memref<64xi32, #tpu.memory_space<vmem>>
          %dma_wait3A_62 = arith.constant 0 : i32
          %dma_wait3A_63 = arith.constant 0 : i32
          %dma_wait3A_64 = tpu.memref_slice %arg2[%dma_wait3A_62, %dma_wait3A_63] : memref<10000x128xf32, #tpu.memory_space<hbm>> -> memref<10000x128xf32, #tpu.memory_space<hbm>>
          tpu.wait_indirect_dma semaphore(%arg13 : memref<!tpu.dma_semaphore, #tpu.memory_space<semaphore_mem>>) src(%dma_wait3A_64 : memref<10000x128xf32, #tpu.memory_space<hbm>>) dst(%arg11 : memref<64x128xf32, #tpu.memory_space<vmem>>)
          %add3A_65 = arith.constant 1 : i32
          %add3A_66 = arith.addi %add3A_44, %add3A_65 : i32
          "tpu.region"() ({
            %run_scoped3A = tpu.sem_alloc : memref<!tpu.dma_semaphore, #tpu.memory_space<semaphore_mem>>
            %dma_start3A_74 = arith.constant 0 : i32
            %dma_start3A_75 = tpu.memref_slice %arg9[%add3A_66, %dma_start3A_74] : memref<40x64xi32, #tpu.memory_space<vmem>> -> memref<1x64xi32, #tpu.memory_space<vmem>>
            %dma_start3A_76 = tpu.memref_squeeze %dma_start3A_75 : memref<1x64xi32, #tpu.memory_space<vmem>> -> memref<64xi32, #tpu.memory_space<vmem>>
            %dma_start3A_77 = arith.constant 0 : i32
            %dma_start3A_78 = arith.constant 0 : i32
            %dma_start3A_79 = tpu.memref_slice %arg7[%dma_start3A_77, %dma_start3A_78] : memref<10240x128xf32, #tpu.memory_space<vmem_shared>> -> memref<10240x128xf32, #tpu.memory_space<vmem_shared>>
            tpu.enqueue_indirect_dma source(%arg11 : memref<64x128xf32, #tpu.memory_space<vmem>>) target(%dma_start3A_79 : memref<10240x128xf32, #tpu.memory_space<vmem_shared>>) offsets(%dma_start3A_76 : memref<64xi32, #tpu.memory_space<vmem>>) semaphore(%run_scoped3A : memref<!tpu.dma_semaphore, #tpu.memory_space<semaphore_mem>>) {add = true}
            %dma_wait3A_80 = arith.constant 0 : i32
            %dma_wait3A_81 = tpu.memref_slice %arg9[%add3A_66, %dma_wait3A_80] : memref<40x64xi32, #tpu.memory_space<vmem>> -> memref<1x64xi32, #tpu.memory_space<vmem>>
            %dma_wait3A_82 = tpu.memref_squeeze %dma_wait3A_81 : memref<1x64xi32, #tpu.memory_space<vmem>> -> memref<64xi32, #tpu.memory_space<vmem>>
            %dma_wait3A_83 = arith.constant 0 : i32
            %dma_wait3A_84 = arith.constant 0 : i32
            %dma_wait3A_85 = tpu.memref_slice %arg7[%dma_wait3A_83, %dma_wait3A_84] : memref<10240x128xf32, #tpu.memory_space<vmem_shared>> -> memref<10240x128xf32, #tpu.memory_space<vmem_shared>>
            tpu.wait_indirect_dma semaphore(%run_scoped3A : memref<!tpu.dma_semaphore, #tpu.memory_space<semaphore_mem>>) src(%arg11 : memref<64x128xf32, #tpu.memory_space<vmem>>) dst(%dma_wait3A_85 : memref<10240x128xf32, #tpu.memory_space<vmem_shared>>)
            tpu.yield
          }) : () -> ()
          %add3A_67 = arith.constant 3 : i32
          %add3A_68 = arith.addi %add3A_44, %add3A_67 : i32
          %lt3A_69 = arith.constant 40 : i32
          %lt3A_70 = arith.cmpi slt, %add3A_68, %lt3A_69 : i32
          %convert_element_type3A_71 = arith.extui %lt3A_70 : i1 to i32
          %cond3A_72 = arith.constant 0 : i32
          %cond3A_73 = arith.cmpi ne, %convert_element_type3A_71, %cond3A_72 : i32
          scf.if %cond3A_73 {
            %add3A_74 = arith.constant 3 : i32
            %add3A_75 = arith.addi %add3A_44, %add3A_74 : i32
            %dma_start3A_76 = arith.constant 0 : i32
            %dma_start3A_77 = tpu.memref_slice %arg8[%add3A_75, %dma_start3A_76] : memref<40x64xi32, #tpu.memory_space<vmem>> -> memref<1x64xi32, #tpu.memory_space<vmem>>
            %dma_start3A_78 = tpu.memref_squeeze %dma_start3A_77 : memref<1x64xi32, #tpu.memory_space<vmem>> -> memref<64xi32, #tpu.memory_space<vmem>>
            %dma_start3A_79 = arith.constant 0 : i32
            %dma_start3A_80 = arith.constant 0 : i32
            %dma_start3A_81 = tpu.memref_slice %arg2[%dma_start3A_79, %dma_start3A_80] : memref<10000x128xf32, #tpu.memory_space<hbm>> -> memref<10000x128xf32, #tpu.memory_space<hbm>>
            tpu.enqueue_indirect_dma source(%dma_start3A_81 : memref<10000x128xf32, #tpu.memory_space<hbm>>) target(%arg11 : memref<64x128xf32, #tpu.memory_space<vmem>>) offsets(%dma_start3A_78 : memref<64xi32, #tpu.memory_space<vmem>>) semaphore(%arg13 : memref<!tpu.dma_semaphore, #tpu.memory_space<semaphore_mem>>)
          } else {
          }
        }
        %scan3A_39 = arith.constant 20 : i32
      } else {
      }
    }
    %scan3A_10 = arith.constant 5 : i32
    %barrier3A_11 = arith.constant 0 : index
    tpu.barrier barrier_id(%barrier3A_11)
    "tpu.region"() ({
      %run_scoped3A = tpu.sem_alloc : memref<!tpu.dma_semaphore, #tpu.memory_space<semaphore_mem>>
      %dma_start3A = arith.constant 0 : i32
      %dma_start3A_12 = arith.constant 0 : i32
      %dma_start3A_13 = tpu.memref_slice %arg6[%arg0, %dma_start3A, %dma_start3A_12] : memref<2x10240x128xf32, #tpu.memory_space<hbm>> -> memref<1x10240x128xf32, #tpu.memory_space<hbm>>
      %dma_start3A_14 = tpu.memref_squeeze %dma_start3A_13 : memref<1x10240x128xf32, #tpu.memory_space<hbm>> -> memref<10240x128xf32, #tpu.memory_space<hbm>>
      %dma_start3A_15 = arith.constant 0 : i32
      %dma_start3A_16 = tpu.memref_slice %dma_start3A_14[%mul3A_6, %dma_start3A_15] : memref<10240x128xf32, #tpu.memory_space<hbm>> -> memref<640x128xf32, #tpu.memory_space<hbm>>
      %dma_start3A_17 = arith.constant 0 : i32
      %dma_start3A_18 = tpu.memref_slice %arg7[%mul3A_6, %dma_start3A_17] : memref<10240x128xf32, #tpu.memory_space<vmem_shared>> -> memref<640x128xf32, #tpu.memory_space<vmem_shared>>
      tpu.enqueue_dma source(%dma_start3A_18 : memref<640x128xf32, #tpu.memory_space<vmem_shared>>) target(%dma_start3A_16 : memref<640x128xf32, #tpu.memory_space<hbm>>) target_semaphore(%run_scoped3A : memref<!tpu.dma_semaphore, #tpu.memory_space<semaphore_mem>>)
      %dma_wait3A = arith.constant 0 : i32
      %dma_wait3A_19 = arith.constant 0 : i32
      %dma_wait3A_20 = tpu.memref_slice %arg6[%arg0, %dma_wait3A, %dma_wait3A_19] : memref<2x10240x128xf32, #tpu.memory_space<hbm>> -> memref<1x10240x128xf32, #tpu.memory_space<hbm>>
      %dma_wait3A_21 = tpu.memref_squeeze %dma_wait3A_20 : memref<1x10240x128xf32, #tpu.memory_space<hbm>> -> memref<10240x128xf32, #tpu.memory_space<hbm>>
      %dma_wait3A_22 = arith.constant 0 : i32
      %dma_wait3A_23 = tpu.memref_slice %dma_wait3A_21[%mul3A_6, %dma_wait3A_22] : memref<10240x128xf32, #tpu.memory_space<hbm>> -> memref<640x128xf32, #tpu.memory_space<hbm>>
      %dma_wait3A_24 = arith.constant 0 : i32
      %dma_wait3A_25 = tpu.memref_slice %arg7[%mul3A_6, %dma_wait3A_24] : memref<10240x128xf32, #tpu.memory_space<vmem_shared>> -> memref<640x128xf32, #tpu.memory_space<vmem_shared>>
      tpu.wait_dma2 semaphore(%run_scoped3A : memref<!tpu.dma_semaphore, #tpu.memory_space<semaphore_mem>>) src(%dma_wait3A_25 : memref<640x128xf32, #tpu.memory_space<vmem_shared>>) dst(%dma_wait3A_23 : memref<640x128xf32, #tpu.memory_space<hbm>>)
      tpu.yield
    }) : () -> ()
    return
  }
}

module attributes {stable_mosaic.version = 14 : i64} {
  func.func @_linear_relu_body(%arg0: i32, %arg1: memref<400x128xf32, #tpu.memory_space<vmem>>, %arg2: memref<128x128xf32, #tpu.memory_space<vmem>>, %arg3: memref<1x128xf32, #tpu.memory_space<vmem>>, %arg4: memref<400x128xf32, #tpu.memory_space<vmem>>) attributes {dimension_semantics = [#tpu.dimension_semantics<arbitrary>], iteration_bounds = array<i64: 25>, scalar_prefetch = 0 : i64, scratch_operands = 0 : i64, tpu.core_type = #tpu.core_type<tc>, window_params = [{transform_indices = @transform_0, window_bounds = array<i64: 400, 128>}, {pipeline_mode = #tpu.pipeline_mode<synchronous>, transform_indices = @transform_1, window_bounds = array<i64: 128, 128>}, {pipeline_mode = #tpu.pipeline_mode<synchronous>, transform_indices = @transform_2, window_bounds = array<i64: 1, 128>}, {transform_indices = @transform_3, window_bounds = array<i64: 400, 128>}]} {
    %get3A = arith.constant 0 : index
    %get3A_0 = arith.constant 0 : index
    %get3A_1 = vector.load %arg1[%get3A, %get3A_0] : memref<400x128xf32, #tpu.memory_space<vmem>>, vector<400x128xf32>
    %get3A_2 = arith.constant 0 : index
    %get3A_3 = arith.constant 0 : index
    %get3A_4 = vector.load %arg2[%get3A_2, %get3A_3] : memref<128x128xf32, #tpu.memory_space<vmem>>, vector<128x128xf32>
    %dot_general3A = arith.constant dense<0.000000e+00> : vector<400x128xf32>
    %dot_general3A_5 = tpu.matmul %get3A_1, %get3A_4, %dot_general3A {dimension_numbers = #tpu.dot_dimension_numbers<[1], [0], [0], [1], [0, 0, 1, 1], [], []>, transpose_lhs_hint = false} : vector<400x128xf32>, vector<128x128xf32>, vector<400x128xf32> -> vector<400x128xf32>
    %get3A_6 = arith.constant 0 : index
    %get3A_7 = arith.constant 0 : index
    %get3A_8 = vector.load %arg3[%get3A_6, %get3A_7] : memref<1x128xf32, #tpu.memory_space<vmem>>, vector<1x128xf32>
    %add3A = vector.broadcast %get3A_8 : vector<1x128xf32> to vector<400x128xf32>
    %add3A_9 = arith.addf %dot_general3A_5, %add3A : vector<400x128xf32>
    %max3A = arith.constant 0.000000e+00 : f32
    %max3A_10 = vector.broadcast %max3A : f32 to vector<400x128xf32>
    %max3A_11 = arith.maximumf %add3A_9, %max3A_10 : vector<400x128xf32>
    %swap3A = arith.constant 0 : index
    %swap3A_12 = arith.constant 0 : index
    %swap3A_13 = vector.load %arg4[%swap3A, %swap3A_12] : memref<400x128xf32, #tpu.memory_space<vmem>>, vector<400x128xf32>
    tpu.vector_store %arg4[%swap3A, %swap3A_12], %max3A_11 {strides = array<i32>} : memref<400x128xf32, #tpu.memory_space<vmem>>, vector<400x128xf32>,
    return
  }
  func.func @transform_0(%arg0: i32) -> (i32, i32) {
    %c0_i32 = arith.constant 0 : i32
    %c0_i32_0 = arith.constant 0 : i32
    return %arg0, %c0_i32 : i32, i32
  }
  func.func @transform_1(%arg0: i32) -> (i32, i32) {
    %c0_i32 = arith.constant 0 : i32
    %c0_i32_0 = arith.constant 0 : i32
    %c0_i32_1 = arith.constant 0 : i32
    return %c0_i32, %c0_i32_0 : i32, i32
  }
  func.func @transform_2(%arg0: i32) -> (i32, i32) {
    %c0_i32 = arith.constant 0 : i32
    %c0_i32_0 = arith.constant 0 : i32
    %c0_i32_1 = arith.constant 0 : i32
    return %c0_i32, %c0_i32_0 : i32, i32
  }
  func.func @transform_3(%arg0: i32) -> (i32, i32) {
    %c0_i32 = arith.constant 0 : i32
    %c0_i32_0 = arith.constant 0 : i32
    return %arg0, %c0_i32 : i32, i32
  }
}

module attributes {stable_mosaic.version = 14 : i64} {
  func.func @_invdeg_body(%arg0: memref<2x80x128xf32, #tpu.memory_space<vmem>>, %arg1: memref<80x128xf32, #tpu.memory_space<vmem>>) attributes {dimension_semantics = [], scalar_prefetch = 0 : i64, scratch_operands = 0 : i64, tpu.core_type = #tpu.core_type<tc>} {
    %get3A = arith.constant 0 : index
    %get3A_0 = arith.constant 0 : index
    %get3A_1 = arith.constant 0 : index
    %get3A_2 = vector.load %arg0[%get3A, %get3A_0, %get3A_1] : memref<2x80x128xf32, #tpu.memory_space<vmem>>, vector<1x80x128xf32>
    %get3A_3 = vector.shape_cast %get3A_2 : vector<1x80x128xf32> to vector<80x128xf32>
    %get3A_4 = arith.constant 1 : index
    %get3A_5 = arith.constant 0 : index
    %get3A_6 = arith.constant 0 : index
    %get3A_7 = vector.load %arg0[%get3A_4, %get3A_5, %get3A_6] : memref<2x80x128xf32, #tpu.memory_space<vmem>>, vector<1x80x128xf32>
    %get3A_8 = vector.shape_cast %get3A_7 : vector<1x80x128xf32> to vector<80x128xf32>
    %add3A = arith.addf %get3A_3, %get3A_8 : vector<80x128xf32>
    %max3A = arith.constant 1.000000e+00 : f32
    %max3A_9 = vector.broadcast %max3A : f32 to vector<80x128xf32>
    %max3A_10 = arith.maximumf %add3A, %max3A_9 : vector<80x128xf32>
    %div3A = arith.constant 1.000000e+00 : f32
    %div3A_11 = vector.broadcast %div3A : f32 to vector<80x128xf32>
    %div3A_12 = arith.divf %div3A_11, %max3A_10 : vector<80x128xf32>
    %swap3A = arith.constant 0 : index
    %swap3A_13 = arith.constant 0 : index
    %swap3A_14 = vector.load %arg1[%swap3A, %swap3A_13] : memref<80x128xf32, #tpu.memory_space<vmem>>, vector<80x128xf32>
    tpu.vector_store %arg1[%swap3A, %swap3A_13], %div3A_12 {strides = array<i32>} : memref<80x128xf32, #tpu.memory_space<vmem>>, vector<80x128xf32>,
    return
  }
}

module attributes {stable_mosaic.version = 14 : i64} {
  func.func @_combine_body(%arg0: i32, %arg1: memref<2x400x128xf32, #tpu.memory_space<vmem>>, %arg2: memref<400x1xf32, #tpu.memory_space<vmem>>, %arg3: memref<128x128xf32, #tpu.memory_space<vmem>>, %arg4: memref<1x128xf32, #tpu.memory_space<vmem>>, %arg5: memref<400x128xf32, #tpu.memory_space<vmem>>) attributes {dimension_semantics = [#tpu.dimension_semantics<arbitrary>], iteration_bounds = array<i64: 25>, scalar_prefetch = 0 : i64, scratch_operands = 0 : i64, tpu.core_type = #tpu.core_type<tc>, window_params = [{transform_indices = @transform_0, window_bounds = array<i64: 2, 400, 128>}, {transform_indices = @transform_1, window_bounds = array<i64: 400, 1>}, {pipeline_mode = #tpu.pipeline_mode<synchronous>, transform_indices = @transform_2, window_bounds = array<i64: 128, 128>}, {pipeline_mode = #tpu.pipeline_mode<synchronous>, transform_indices = @transform_3, window_bounds = array<i64: 1, 128>}, {transform_indices = @transform_4, window_bounds = array<i64: 400, 128>}]} {
    %get3A = arith.constant 0 : index
    %get3A_0 = arith.constant 0 : index
    %get3A_1 = arith.constant 0 : index
    %get3A_2 = vector.load %arg1[%get3A, %get3A_0, %get3A_1] : memref<2x400x128xf32, #tpu.memory_space<vmem>>, vector<1x400x128xf32>
    %get3A_3 = vector.shape_cast %get3A_2 : vector<1x400x128xf32> to vector<400x128xf32>
    %get3A_4 = arith.constant 1 : index
    %get3A_5 = arith.constant 0 : index
    %get3A_6 = arith.constant 0 : index
    %get3A_7 = vector.load %arg1[%get3A_4, %get3A_5, %get3A_6] : memref<2x400x128xf32, #tpu.memory_space<vmem>>, vector<1x400x128xf32>
    %get3A_8 = vector.shape_cast %get3A_7 : vector<1x400x128xf32> to vector<400x128xf32>
    %add3A = arith.addf %get3A_3, %get3A_8 : vector<400x128xf32>
    %get3A_9 = arith.constant 0 : index
    %get3A_10 = arith.constant 0 : index
    %get3A_11 = vector.load %arg2[%get3A_9, %get3A_10] : memref<400x1xf32, #tpu.memory_space<vmem>>, vector<400x1xf32>
    %mul3A = vector.broadcast %get3A_11 : vector<400x1xf32> to vector<400x128xf32>
    %mul3A_12 = arith.mulf %add3A, %mul3A : vector<400x128xf32>
    %get3A_13 = arith.constant 0 : index
    %get3A_14 = arith.constant 0 : index
    %get3A_15 = vector.load %arg3[%get3A_13, %get3A_14] : memref<128x128xf32, #tpu.memory_space<vmem>>, vector<128x128xf32>
    %dot_general3A = arith.constant dense<0.000000e+00> : vector<400x128xf32>
    %dot_general3A_16 = tpu.matmul %mul3A_12, %get3A_15, %dot_general3A {dimension_numbers = #tpu.dot_dimension_numbers<[1], [0], [0], [1], [0, 0, 1, 1], [], []>, transpose_lhs_hint = false} : vector<400x128xf32>, vector<128x128xf32>, vector<400x128xf32> -> vector<400x128xf32>
    %get3A_17 = arith.constant 0 : index
    %get3A_18 = arith.constant 0 : index
    %get3A_19 = vector.load %arg4[%get3A_17, %get3A_18] : memref<1x128xf32, #tpu.memory_space<vmem>>, vector<1x128xf32>
    %add3A_20 = vector.broadcast %get3A_19 : vector<1x128xf32> to vector<400x128xf32>
    %add3A_21 = arith.addf %dot_general3A_16, %add3A_20 : vector<400x128xf32>
    %max3A = arith.constant 0.000000e+00 : f32
    %max3A_22 = vector.broadcast %max3A : f32 to vector<400x128xf32>
    %max3A_23 = arith.maximumf %add3A_21, %max3A_22 : vector<400x128xf32>
    %swap3A = arith.constant 0 : index
    %swap3A_24 = arith.constant 0 : index
    %swap3A_25 = vector.load %arg5[%swap3A, %swap3A_24] : memref<400x128xf32, #tpu.memory_space<vmem>>, vector<400x128xf32>
    tpu.vector_store %arg5[%swap3A, %swap3A_24], %max3A_23 {strides = array<i32>} : memref<400x128xf32, #tpu.memory_space<vmem>>, vector<400x128xf32>,
    return
  }
  func.func @transform_0(%arg0: i32) -> (i32, i32, i32) {
    %c0_i32 = arith.constant 0 : i32
    %c0_i32_0 = arith.constant 0 : i32
    %c0_i32_1 = arith.constant 0 : i32
    return %c0_i32, %arg0, %c0_i32_0 : i32, i32, i32
  }
  func.func @transform_1(%arg0: i32) -> (i32, i32) {
    %c0_i32 = arith.constant 0 : i32
    %c0_i32_0 = arith.constant 0 : i32
    return %arg0, %c0_i32 : i32, i32
  }
  func.func @transform_2(%arg0: i32) -> (i32, i32) {
    %c0_i32 = arith.constant 0 : i32
    %c0_i32_0 = arith.constant 0 : i32
    %c0_i32_1 = arith.constant 0 : i32
    return %c0_i32, %c0_i32_0 : i32, i32
  }
  func.func @transform_3(%arg0: i32) -> (i32, i32) {
    %c0_i32 = arith.constant 0 : i32
    %c0_i32_0 = arith.constant 0 : i32
    %c0_i32_1 = arith.constant 0 : i32
    return %c0_i32, %c0_i32_0 : i32, i32
  }
  func.func @transform_4(%arg0: i32) -> (i32, i32) {
    %c0_i32 = arith.constant 0 : i32
    %c0_i32_0 = arith.constant 0 : i32
    return %arg0, %c0_i32 : i32, i32
  }
}

module attributes {stable_mosaic.version = 14 : i64} {
  func.func @_heads_body(%arg0: memref<10000x128xf32, #tpu.memory_space<vmem>>, %arg1: memref<128x128xf32, #tpu.memory_space<vmem>>, %arg2: memref<1x128xf32, #tpu.memory_space<vmem>>, %arg3: memref<128x17xf32, #tpu.memory_space<vmem>>, %arg4: memref<1x17xf32, #tpu.memory_space<vmem>>, %arg5: memref<128x128xf32, #tpu.memory_space<vmem>>, %arg6: memref<1x128xf32, #tpu.memory_space<vmem>>, %arg7: memref<128x1xf32, #tpu.memory_space<vmem>>, %arg8: memref<1x1xf32, #tpu.memory_space<vmem>>, %arg9: memref<1000x17xf32, #tpu.memory_space<vmem>>, %arg10: memref<1x1xf32, #tpu.memory_space<vmem>>, %arg11: memref<1x1xf32, #tpu.memory_space<vmem>>) attributes {dimension_semantics = [], scalar_prefetch = 0 : i64, scratch_operands = 0 : i64, tpu.core_type = #tpu.core_type<tc>} {
    %get3A = arith.constant 0 : index
    %get3A_0 = arith.constant 0 : index
    %get3A_1 = vector.load %arg0[%get3A, %get3A_0] : memref<10000x128xf32, #tpu.memory_space<vmem>>, vector<10000x128xf32>
    %reduce_sum3A = arith.constant dense<0.000000e+00> : vector<128xf32>
    %reduce_sum3A_2 = vector.multi_reduction <add>, %get3A_1, %reduce_sum3A [0] : vector<10000x128xf32> to vector<128xf32>
    %broadcast_in_dim3A = vector.shape_cast %reduce_sum3A_2 : vector<128xf32> to vector<1x128xf32>
    %mul3A = arith.constant 9.99999974E-5 : f32
    %mul3A_3 = vector.broadcast %mul3A : f32 to vector<1x128xf32>
    %mul3A_4 = arith.mulf %broadcast_in_dim3A, %mul3A_3 : vector<1x128xf32>
    %slice3A = vector.extract_strided_slice %get3A_1 {offsets = [0, 0], sizes = [1000, 128], strides = [1, 1]} : vector<10000x128xf32> to vector<1000x128xf32>
    %get3A_5 = arith.constant 0 : index
    %get3A_6 = arith.constant 0 : index
    %get3A_7 = vector.load %arg1[%get3A_5, %get3A_6] : memref<128x128xf32, #tpu.memory_space<vmem>>, vector<128x128xf32>
    %dot_general3A = arith.constant dense<0.000000e+00> : vector<1000x128xf32>
    %dot_general3A_8 = tpu.matmul %slice3A, %get3A_7, %dot_general3A {dimension_numbers = #tpu.dot_dimension_numbers<[1], [0], [0], [1], [0, 0, 1, 1], [], []>, transpose_lhs_hint = false} : vector<1000x128xf32>, vector<128x128xf32>, vector<1000x128xf32> -> vector<1000x128xf32>
    %get3A_9 = arith.constant 0 : index
    %get3A_10 = arith.constant 0 : index
    %get3A_11 = vector.load %arg2[%get3A_9, %get3A_10] : memref<1x128xf32, #tpu.memory_space<vmem>>, vector<1x128xf32>
    %add3A = vector.broadcast %get3A_11 : vector<1x128xf32> to vector<1000x128xf32>
    %add3A_12 = arith.addf %dot_general3A_8, %add3A : vector<1000x128xf32>
    %max3A = arith.constant 0.000000e+00 : f32
    %max3A_13 = vector.broadcast %max3A : f32 to vector<1000x128xf32>
    %max3A_14 = arith.maximumf %add3A_12, %max3A_13 : vector<1000x128xf32>
    %get3A_15 = arith.constant 0 : index
    %get3A_16 = arith.constant 0 : index
    %get3A_17 = vector.load %arg3[%get3A_15, %get3A_16] : memref<128x17xf32, #tpu.memory_space<vmem>>, vector<128x17xf32>
    %dot_general3A_18 = arith.constant dense<0.000000e+00> : vector<1000x17xf32>
    %dot_general3A_19 = tpu.matmul %max3A_14, %get3A_17, %dot_general3A_18 {dimension_numbers = #tpu.dot_dimension_numbers<[1], [0], [0], [1], [0, 0, 1, 1], [], []>, transpose_lhs_hint = false} : vector<1000x128xf32>, vector<128x17xf32>, vector<1000x17xf32> -> vector<1000x17xf32>
    %get3A_20 = arith.constant 0 : index
    %get3A_21 = arith.constant 0 : index
    %get3A_22 = vector.load %arg4[%get3A_20, %get3A_21] : memref<1x17xf32, #tpu.memory_space<vmem>>, vector<1x17xf32>
    %add3A_23 = vector.broadcast %get3A_22 : vector<1x17xf32> to vector<1000x17xf32>
    %add3A_24 = arith.addf %dot_general3A_19, %add3A_23 : vector<1000x17xf32>
    %max3A_25 = arith.constant 0.000000e+00 : f32
    %max3A_26 = vector.broadcast %max3A_25 : f32 to vector<1000x17xf32>
    %max3A_27 = arith.maximumf %add3A_24, %max3A_26 : vector<1000x17xf32>
    %abs3A = math.absf %add3A_24 : vector<1000x17xf32>
    %neg3A = arith.constant 0.000000e+00 : f32
    %neg3A_28 = vector.broadcast %neg3A : f32 to vector<1000x17xf32>
    %neg3A_29 = arith.subf %neg3A_28, %abs3A : vector<1000x17xf32>
    %exp3A = math.exp %neg3A_29 : vector<1000x17xf32>
    %add3A_30 = arith.constant 1.000000e+00 : f32
    %add3A_31 = vector.broadcast %add3A_30 : f32 to vector<1000x17xf32>
    %add3A_32 = arith.addf %add3A_31, %exp3A : vector<1000x17xf32>
    %log3A = math.log %add3A_32 : vector<1000x17xf32>
    %add3A_33 = arith.addf %max3A_27, %log3A : vector<1000x17xf32>
    %add3A_34 = arith.constant 1.000000e+00 : f32
    %add3A_35 = vector.broadcast %add3A_34 : f32 to vector<1000x17xf32>
    %add3A_36 = arith.addf %add3A_33, %add3A_35 : vector<1000x17xf32>
    %reduce_sum3A_37 = arith.constant dense<0.000000e+00> : vector<1000xf32>
    %reduce_sum3A_38 = vector.multi_reduction <add>, %add3A_36, %reduce_sum3A_37 [1] : vector<1000x17xf32> to vector<1000xf32>
    %broadcast_in_dim3A_39 = vector.shape_cast %reduce_sum3A_38 : vector<1000xf32> to vector<1000x1xf32>
    %div3A = vector.broadcast %broadcast_in_dim3A_39 : vector<1000x1xf32> to vector<1000x17xf32>
    %div3A_40 = arith.divf %add3A_36, %div3A : vector<1000x17xf32>
    %swap3A = arith.constant 0 : index
    %swap3A_41 = arith.constant 0 : index
    %swap3A_42 = vector.load %arg9[%swap3A, %swap3A_41] : memref<1000x17xf32, #tpu.memory_space<vmem>>, vector<1000x17xf32>
    tpu.vector_store %arg9[%swap3A, %swap3A_41], %div3A_40 {strides = array<i32>} : memref<1000x17xf32, #tpu.memory_space<vmem>>, vector<1000x17xf32>,
    %sub3A = arith.constant 1.000000e+00 : f32
    %sub3A_43 = vector.broadcast %sub3A : f32 to vector<1000x17xf32>
    %sub3A_44 = arith.subf %add3A_36, %sub3A_43 : vector<1000x17xf32>
    %log3A_45 = math.log %div3A_40 : vector<1000x17xf32>
    %mul3A_46 = arith.mulf %sub3A_44, %log3A_45 : vector<1000x17xf32>
    %reduce_sum3A_47 = vector.shape_cast %mul3A_46 : vector<1000x17xf32> to vector<1x1000x17xf32>
    %reduce_sum3A_48 = arith.constant dense<0.000000e+00> : vector<1xf32>
    %reduce_sum3A_49 = vector.multi_reduction <add>, %reduce_sum3A_47, %reduce_sum3A_48 [1, 2] : vector<1x1000x17xf32> to vector<1xf32>
    %reduce_sum3A_50 = vector.shape_cast %reduce_sum3A_49 : vector<1xf32> to vector<1x1x1xf32>
    %reduce_sum3A_51 = vector.extract %reduce_sum3A_50[0, 0, 0] : f32 from vector<1x1x1xf32>
    %add3A_52 = arith.constant 7.000000e+00 : f32
    %add3A_53 = vector.broadcast %add3A_52 : f32 to vector<1000x1xf32>
    %add3A_54 = arith.addf %broadcast_in_dim3A_39, %add3A_53 : vector<1000x1xf32>
    %log3A_55 = math.log %broadcast_in_dim3A_39 : vector<1000x1xf32>
    %add3A_56 = arith.constant 1.000000e+00 : f32
    %add3A_57 = vector.broadcast %add3A_56 : f32 to vector<1000x1xf32>
    %add3A_58 = arith.addf %broadcast_in_dim3A_39, %add3A_57 : vector<1000x1xf32>
    %log3A_59 = math.log %add3A_58 : vector<1000x1xf32>
    %add3A_60 = arith.addf %log3A_55, %log3A_59 : vector<1000x1xf32>
    %add3A_61 = arith.constant 2.000000e+00 : f32
    %add3A_62 = vector.broadcast %add3A_61 : f32 to vector<1000x1xf32>
    %add3A_63 = arith.addf %broadcast_in_dim3A_39, %add3A_62 : vector<1000x1xf32>
    %log3A_64 = math.log %add3A_63 : vector<1000x1xf32>
    %add3A_65 = arith.addf %add3A_60, %log3A_64 : vector<1000x1xf32>
    %add3A_66 = arith.constant 3.000000e+00 : f32
    %add3A_67 = vector.broadcast %add3A_66 : f32 to vector<1000x1xf32>
    %add3A_68 = arith.addf %broadcast_in_dim3A_39, %add3A_67 : vector<1000x1xf32>
    %log3A_69 = math.log %add3A_68 : vector<1000x1xf32>
    %add3A_70 = arith.addf %add3A_65, %log3A_69 : vector<1000x1xf32>
    %add3A_71 = arith.constant 4.000000e+00 : f32
    %add3A_72 = vector.broadcast %add3A_71 : f32 to vector<1000x1xf32>
    %add3A_73 = arith.addf %broadcast_in_dim3A_39, %add3A_72 : vector<1000x1xf32>
    %log3A_74 = math.log %add3A_73 : vector<1000x1xf32>
    %add3A_75 = arith.addf %add3A_70, %log3A_74 : vector<1000x1xf32>
    %add3A_76 = arith.constant 5.000000e+00 : f32
    %add3A_77 = vector.broadcast %add3A_76 : f32 to vector<1000x1xf32>
    %add3A_78 = arith.addf %broadcast_in_dim3A_39, %add3A_77 : vector<1000x1xf32>
    %log3A_79 = math.log %add3A_78 : vector<1000x1xf32>
    %add3A_80 = arith.addf %add3A_75, %log3A_79 : vector<1000x1xf32>
    %add3A_81 = arith.constant 6.000000e+00 : f32
    %add3A_82 = vector.broadcast %add3A_81 : f32 to vector<1000x1xf32>
    %add3A_83 = arith.addf %broadcast_in_dim3A_39, %add3A_82 : vector<1000x1xf32>
    %log3A_84 = math.log %add3A_83 : vector<1000x1xf32>
    %add3A_85 = arith.addf %add3A_80, %log3A_84 : vector<1000x1xf32>
    %div3A_86 = arith.constant 1.000000e+00 : f32
    %div3A_87 = vector.broadcast %div3A_86 : f32 to vector<1000x1xf32>
    %div3A_88 = arith.divf %div3A_87, %add3A_54 : vector<1000x1xf32>
    %mul3A_89 = arith.mulf %div3A_88, %div3A_88 : vector<1000x1xf32>
    %sub3A_90 = arith.constant 5.000000e-01 : f32
    %sub3A_91 = vector.broadcast %sub3A_90 : f32 to vector<1000x1xf32>
    %sub3A_92 = arith.subf %add3A_54, %sub3A_91 : vector<1000x1xf32>
    %log3A_93 = math.log %add3A_54 : vector<1000x1xf32>
    %mul3A_94 = arith.mulf %sub3A_92, %log3A_93 : vector<1000x1xf32>
    %sub3A_95 = arith.subf %mul3A_94, %add3A_54 : vector<1000x1xf32>
    %add3A_96 = arith.constant 0.918938517 : f32
    %add3A_97 = vector.broadcast %add3A_96 : f32 to vector<1000x1xf32>
    %add3A_98 = arith.addf %sub3A_95, %add3A_97 : vector<1000x1xf32>
    %mul3A_99 = arith.constant 7.93650805E-4 : f32
    %mul3A_100 = vector.broadcast %mul3A_99 : f32 to vector<1000x1xf32>
    %mul3A_101 = arith.mulf %mul3A_89, %mul3A_100 : vector<1000x1xf32>
    %sub3A_102 = arith.constant 0.00277777785 : f32
    %sub3A_103 = vector.broadcast %sub3A_102 : f32 to vector<1000x1xf32>
    %sub3A_104 = arith.subf %sub3A_103, %mul3A_101 : vector<1000x1xf32>
    %mul3A_105 = arith.mulf %mul3A_89, %sub3A_104 : vector<1000x1xf32>
    %sub3A_106 = arith.constant 0.0833333358 : f32
    %sub3A_107 = vector.broadcast %sub3A_106 : f32 to vector<1000x1xf32>
    %sub3A_108 = arith.subf %sub3A_107, %mul3A_105 : vector<1000x1xf32>
    %mul3A_109 = arith.mulf %div3A_88, %sub3A_108 : vector<1000x1xf32>
    %add3A_110 = arith.addf %add3A_98, %mul3A_109 : vector<1000x1xf32>
    %sub3A_111 = arith.subf %add3A_110, %add3A_85 : vector<1000x1xf32>
    %reduce_sum3A_112 = vector.shape_cast %sub3A_111 : vector<1000x1xf32> to vector<1x1000x1xf32>
    %reduce_sum3A_113 = arith.constant dense<0.000000e+00> : vector<1xf32>
    %reduce_sum3A_114 = vector.multi_reduction <add>, %reduce_sum3A_112, %reduce_sum3A_113 [1, 2] : vector<1x1000x1xf32> to vector<1xf32>
    %reduce_sum3A_115 = vector.shape_cast %reduce_sum3A_114 : vector<1xf32> to vector<1x1x1xf32>
    %reduce_sum3A_116 = vector.extract %reduce_sum3A_115[0, 0, 0] : f32 from vector<1x1x1xf32>
    %add3A_117 = arith.addf %reduce_sum3A_51, %reduce_sum3A_116 : f32
    %add3A_118 = arith.constant 7.000000e+00 : f32
    %add3A_119 = vector.broadcast %add3A_118 : f32 to vector<1000x17xf32>
    %add3A_120 = arith.addf %add3A_36, %add3A_119 : vector<1000x17xf32>
    %log3A_121 = math.log %add3A_36 : vector<1000x17xf32>
    %add3A_122 = arith.constant 1.000000e+00 : f32
    %add3A_123 = vector.broadcast %add3A_122 : f32 to vector<1000x17xf32>
    %add3A_124 = arith.addf %add3A_36, %add3A_123 : vector<1000x17xf32>
    %log3A_125 = math.log %add3A_124 : vector<1000x17xf32>
    %add3A_126 = arith.addf %log3A_121, %log3A_125 : vector<1000x17xf32>
    %add3A_127 = arith.constant 2.000000e+00 : f32
    %add3A_128 = vector.broadcast %add3A_127 : f32 to vector<1000x17xf32>
    %add3A_129 = arith.addf %add3A_36, %add3A_128 : vector<1000x17xf32>
    %log3A_130 = math.log %add3A_129 : vector<1000x17xf32>
    %add3A_131 = arith.addf %add3A_126, %log3A_130 : vector<1000x17xf32>
    %add3A_132 = arith.constant 3.000000e+00 : f32
    %add3A_133 = vector.broadcast %add3A_132 : f32 to vector<1000x17xf32>
    %add3A_134 = arith.addf %add3A_36, %add3A_133 : vector<1000x17xf32>
    %log3A_135 = math.log %add3A_134 : vector<1000x17xf32>
    %add3A_136 = arith.addf %add3A_131, %log3A_135 : vector<1000x17xf32>
    %add3A_137 = arith.constant 4.000000e+00 : f32
    %add3A_138 = vector.broadcast %add3A_137 : f32 to vector<1000x17xf32>
    %add3A_139 = arith.addf %add3A_36, %add3A_138 : vector<1000x17xf32>
    %log3A_140 = math.log %add3A_139 : vector<1000x17xf32>
    %add3A_141 = arith.addf %add3A_136, %log3A_140 : vector<1000x17xf32>
    %add3A_142 = arith.constant 5.000000e+00 : f32
    %add3A_143 = vector.broadcast %add3A_142 : f32 to vector<1000x17xf32>
    %add3A_144 = arith.addf %add3A_36, %add3A_143 : vector<1000x17xf32>
    %log3A_145 = math.log %add3A_144 : vector<1000x17xf32>
    %add3A_146 = arith.addf %add3A_141, %log3A_145 : vector<1000x17xf32>
    %add3A_147 = arith.constant 6.000000e+00 : f32
    %add3A_148 = vector.broadcast %add3A_147 : f32 to vector<1000x17xf32>
    %add3A_149 = arith.addf %add3A_36, %add3A_148 : vector<1000x17xf32>
    %log3A_150 = math.log %add3A_149 : vector<1000x17xf32>
    %add3A_151 = arith.addf %add3A_146, %log3A_150 : vector<1000x17xf32>
    %div3A_152 = arith.constant 1.000000e+00 : f32
    %div3A_153 = vector.broadcast %div3A_152 : f32 to vector<1000x17xf32>
    %div3A_154 = arith.divf %div3A_153, %add3A_120 : vector<1000x17xf32>
    %mul3A_155 = arith.mulf %div3A_154, %div3A_154 : vector<1000x17xf32>
    %sub3A_156 = arith.constant 5.000000e-01 : f32
    %sub3A_157 = vector.broadcast %sub3A_156 : f32 to vector<1000x17xf32>
    %sub3A_158 = arith.subf %add3A_120, %sub3A_157 : vector<1000x17xf32>
    %log3A_159 = math.log %add3A_120 : vector<1000x17xf32>
    %mul3A_160 = arith.mulf %sub3A_158, %log3A_159 : vector<1000x17xf32>
    %sub3A_161 = arith.subf %mul3A_160, %add3A_120 : vector<1000x17xf32>
    %add3A_162 = arith.constant 0.918938517 : f32
    %add3A_163 = vector.broadcast %add3A_162 : f32 to vector<1000x17xf32>
    %add3A_164 = arith.addf %sub3A_161, %add3A_163 : vector<1000x17xf32>
    %mul3A_165 = arith.constant 7.93650805E-4 : f32
    %mul3A_166 = vector.broadcast %mul3A_165 : f32 to vector<1000x17xf32>
    %mul3A_167 = arith.mulf %mul3A_155, %mul3A_166 : vector<1000x17xf32>
    %sub3A_168 = arith.constant 0.00277777785 : f32
    %sub3A_169 = vector.broadcast %sub3A_168 : f32 to vector<1000x17xf32>
    %sub3A_170 = arith.subf %sub3A_169, %mul3A_167 : vector<1000x17xf32>
    %mul3A_171 = arith.mulf %mul3A_155, %sub3A_170 : vector<1000x17xf32>
    %sub3A_172 = arith.constant 0.0833333358 : f32
    %sub3A_173 = vector.broadcast %sub3A_172 : f32 to vector<1000x17xf32>
    %sub3A_174 = arith.subf %sub3A_173, %mul3A_171 : vector<1000x17xf32>
    %mul3A_175 = arith.mulf %div3A_154, %sub3A_174 : vector<1000x17xf32>
    %add3A_176 = arith.addf %add3A_164, %mul3A_175 : vector<1000x17xf32>
    %sub3A_177 = arith.subf %add3A_176, %add3A_151 : vector<1000x17xf32>
    %reduce_sum3A_178 = vector.shape_cast %sub3A_177 : vector<1000x17xf32> to vector<1x1000x17xf32>
    %reduce_sum3A_179 = arith.constant dense<0.000000e+00> : vector<1xf32>
    %reduce_sum3A_180 = vector.multi_reduction <add>, %reduce_sum3A_178, %reduce_sum3A_179 [1, 2] : vector<1x1000x17xf32> to vector<1xf32>
    %reduce_sum3A_181 = vector.shape_cast %reduce_sum3A_180 : vector<1xf32> to vector<1x1x1xf32>
    %reduce_sum3A_182 = vector.extract %reduce_sum3A_181[0, 0, 0] : f32 from vector<1x1x1xf32>
    %sub3A_183 = arith.subf %add3A_117, %reduce_sum3A_182 : f32
    %reshape3A = vector.broadcast %sub3A_183 : f32 to vector<1x1xf32>
    %swap3A_184 = arith.constant 0 : index
    %swap3A_185 = arith.constant 0 : index
    %swap3A_186 = vector.load %arg10[%swap3A_184, %swap3A_185] : memref<1x1xf32, #tpu.memory_space<vmem>>, vector<1x1xf32>
    tpu.vector_store %arg10[%swap3A_184, %swap3A_185], %reshape3A {strides = array<i32>} : memref<1x1xf32, #tpu.memory_space<vmem>>, vector<1x1xf32>,
    %get3A_187 = arith.constant 0 : index
    %get3A_188 = arith.constant 0 : index
    %get3A_189 = vector.load %arg5[%get3A_187, %get3A_188] : memref<128x128xf32, #tpu.memory_space<vmem>>, vector<128x128xf32>
    %dot_general3A_190 = arith.constant dense<0.000000e+00> : vector<1x128xf32>
    %dot_general3A_191 = tpu.matmul %mul3A_4, %get3A_189, %dot_general3A_190 {dimension_numbers = #tpu.dot_dimension_numbers<[1], [0], [0], [1], [0, 0, 1, 1], [], []>, transpose_lhs_hint = false} : vector<1x128xf32>, vector<128x128xf32>, vector<1x128xf32> -> vector<1x128xf32>
    %get3A_192 = arith.constant 0 : index
    %get3A_193 = arith.constant 0 : index
    %get3A_194 = vector.load %arg6[%get3A_192, %get3A_193] : memref<1x128xf32, #tpu.memory_space<vmem>>, vector<1x128xf32>
    %add3A_195 = arith.addf %dot_general3A_191, %get3A_194 : vector<1x128xf32>
    %max3A_196 = arith.constant 0.000000e+00 : f32
    %max3A_197 = vector.broadcast %max3A_196 : f32 to vector<1x128xf32>
    %max3A_198 = arith.maximumf %add3A_195, %max3A_197 : vector<1x128xf32>
    %get3A_199 = arith.constant 0 : index
    %get3A_200 = arith.constant 0 : index
    %get3A_201 = vector.load %arg7[%get3A_199, %get3A_200] : memref<128x1xf32, #tpu.memory_space<vmem>>, vector<128x1xf32>
    %dot_general3A_202 = arith.constant dense<0.000000e+00> : vector<1x1xf32>
    %dot_general3A_203 = tpu.matmul %max3A_198, %get3A_201, %dot_general3A_202 {dimension_numbers = #tpu.dot_dimension_numbers<[1], [0], [0], [1], [0, 0, 1, 1], [], []>, transpose_lhs_hint = false} : vector<1x128xf32>, vector<128x1xf32>, vector<1x1xf32> -> vector<1x1xf32>
    %get3A_204 = arith.constant 0 : index
    %get3A_205 = arith.constant 0 : index
    %get3A_206 = vector.load %arg8[%get3A_204, %get3A_205] : memref<1x1xf32, #tpu.memory_space<vmem>>, vector<1x1xf32>
    %add3A_207 = arith.addf %dot_general3A_203, %get3A_206 : vector<1x1xf32>
    %swap3A_208 = arith.constant 0 : index
    %swap3A_209 = arith.constant 0 : index
    %swap3A_210 = vector.load %arg11[%swap3A_208, %swap3A_209] : memref<1x1xf32, #tpu.memory_space<vmem>>, vector<1x1xf32>
    tpu.vector_store %arg11[%swap3A_208, %swap3A_209], %add3A_207 {strides = array<i32>} : memref<1x1xf32, #tpu.memory_space<vmem>>, vector<1x1xf32>,
    return
  }
}

</mosaic_0001>

<sc_bundles>
// kernel: kernel.12.cloned.1.call-start
scs
__scs_entry_jumppad:
0x0: {  	(pc) =	sbr.rel $0x88, $3  }
0x1: {  	(tag) =	ssettag $0x0;
	lr =	simm.s32 $0x1  }
0x2: {  	[smem:$0x3F93] =	sst lr;
	_ =	strace $0xD0000000  }
0x3: {  	_ = 	snop  }
0x4: {  	_ = 	snop  }
0x5: {  	_ = 	snop  }
0x6: {  	_ = 	snop  }
0x7: {  	_ = 	snop  }
__scs_overlays_trampoline_lowered:
0x8: {  	[smem:$0x3FA2] =	sst s0  }
0x9: {  	[smem:$0x3FA3] =	sst s1  }
0xa: {  	[smem:$0x3FA4] =	sst s2  }
0xb: {  	[smem:$0x3FA5] =	sst s3  }
0xc: {  	[smem:$0x3FA6] =	sst s4  }
0xd: {  	[smem:$0x3FA7] =	sst s5  }
0xe: {  	[smem:$0x3FA8] =	sst s6  }
0xf: {  	[smem:$0x3FA9] =	sst s7  }
0x10: {  	[smem:$0x3FAA] =	sst s8  }
0x11: {  	[smem:$0x3FAB] =	sst s9;
	s0 =	simm.s32 @!p0 $0x0  }
0x12: {  	s1 =	sld [smem:$0x3F91];
	s0 =	simm.s32 @p0 $0x1  }
0x13: {  	[smem:$0x3FAC] =	sst s0;
	s0 =	simm.s32 @!p1 $0x0  }
0x14: {  	s2 =	sld [smem:$0x3F90];
	s0 =	simm.s32 @p1 $0x1  }
0x15: {  	[smem:$0x3FAD] =	sst s0;
	s0 =	simm.s32 @!p2 $0x0  }
0x16: {  	s3 =	sld [smem:$0x3FDB];
	s0 =	simm.s32 @p2 $0x1  }
0x17: {  	s4 =	simm.s32 $0x1BF5;
	[smem:$0x3FAF] =	sst s0  }
0x18: {  	s0 =	sld [smem:$0x3F92];
	_ =	swait.ge [sflag:s4], $0x0  }
0x19: {  	s7 =	sld [smem:$0x3F93]  }
0x1a: {  	s8 =	sadd.s32 $0xFFFFE003, lr  }
0x1b: {  	s9 =	sadd.s32 $0xFFFFFEF7, lr;
	s5 =	simm.s32 $0xFFFFFFFF;
	p2 =	slt.u32 s8, $0xFFFFF086  }
0x1c: {  	p1 =	slt.u32 s9, $0xF7A;
	s5 =	simm.s32 @!p2 $0x0  }
0x1d: {  	s5 =	simm.s32 @p1 $0x1;
	p0 =	seq.s32 s7, s2  }
0x1e: {  	s7 =	smul.u32 @!p0 $0xF7A, s2;
	p2 =	seq.s32 @!p0 s5, $0x0  }
0x1f: {  	s9 =	smul.u32 $0xF7A, s1;
	s8 =	simm.s32 @!p0 $0x1BF5;
	p2 =	por !p2, p0  }
0x20: {  	[sflag:s8] =	ssyncset.s32 @!p0 $0xFFFFF086;
	s6 =	sadd.s32 @!p0 s3, s7;
	s7 =	simm.s32 @!p0 $0x108  }
0x21: {  	s3 =	sadd.s32 s3, s9;
	s6 =	sadd.s32 @!p0 $0x88, s6;
	s7 =	simm.s32 @p2 $0x1082  }
0x22: {  	[simem:s7], [sflag:s8] =	dma.local @!p0 [hbm:s6], $0xF7A  }
0x23: {  	s9 =	sor.u32 $0xD0000000, s2;
	s6 =	simm.s32 $0x108;
	_ =	swait.ge @!p0 [sflag:s8], $0x0  }
0x24: {  	s3 =	sadd.s32 $0x88, s3;
	s6 =	simm.s32 @!p1 $0x1082;
	[sflag:s4] =	ssyncset.s32 $0xFFFFF086  }
0x25: {  	[simem:s6], [sflag:s4] =	dma.local [hbm:s3], $0xF7A  }
0x26: {  	[smem:$0x3F93] =	sst s1;
	(tag) =	ssettag s2;
	_ =	strace s9  }
0x27: {  	s1 =	sld [smem:$0x3FA3]  }
0x28: {  	s2 =	sld [smem:$0x3FA4]  }
0x29: {  	s4 =	sld [smem:$0x3FA6]  }
0x2a: {  	p0 =	seq.s32 s5, $0x0;
	s5 =	sld [smem:$0x3FA7]  }
0x2b: {  	s6 =	sld [smem:$0x3FA8]  }
0x2c: {  	s7 =	sld [smem:$0x3FA9]  }
0x2d: {  	s3 =	simm.s32 $0x108;
	s8 =	sld [smem:$0x3FAA]  }
0x2e: {  	s3 =	simm.s32 @!p0 $0x1082;
	s9 =	sld [smem:$0x3FAB]  }
0x2f: {  	lr =	sadd.s32 s0, s3;
	s0 =	sld [smem:$0x3FA2]  }
0x30: {  	s3 =	sld [smem:$0x3FA5]  }
0x31: {  	[smem:$0x3FAE] =	sst s10  }
0x32: {  	s10 =	sld [smem:$0x3FAC];
	_ =	sdelay $0x3  }
0x33: {  	p0 =	seq.s32 s10, $0x1;
	s10 =	sld [smem:$0x3FAE];
	_ =	sdelay $0x3  }
0x34: {  	[smem:$0x3FAE] =	sst s10  }
0x35: {  	s10 =	sld [smem:$0x3FAD];
	_ =	sdelay $0x3  }
0x36: {  	p1 =	seq.s32 s10, $0x1;
	s10 =	sld [smem:$0x3FAE];
	_ =	sdelay $0x3  }
0x37: {  	[smem:$0x3FAE] =	sst s10  }
0x38: {  	s10 =	sld [smem:$0x3FAF]  }
0x39: {  	_ = 	snop;
	(pc) =	sbr.ind lr, $3  }
0x3a: {  	_ = 	snop  }
0x3b: {  	_ = 	snop  }
0x3c: {  	p2 =	seq.s32 s10, $0x1;
	s10 =	sld [smem:$0x3FAE]  }
0x3d: {  	_ =	shalt  }
0x3e: {  	_ =	shalt  }
0x3f: {  	_ =	shalt  }
0x40: {  	_ =	shalt  }
0x41: {  	_ =	shalt  }
0x42: {  	_ =	shalt  }
0x43: {  	_ =	shalt  }
0x44: {  	_ =	shalt  }
0x45: {  	_ =	shalt  }
0x46: {  	_ =	shalt  }
0x47: {  	_ =	shalt  }
0x48: {  	_ =	shalt  }
0x49: {  	_ =	shalt  }
0x4a: {  	_ =	shalt  }
0x4b: {  	_ =	shalt  }
0x4c: {  	_ =	shalt  }
0x4d: {  	_ =	shalt  }
0x4e: {  	_ =	shalt  }
0x4f: {  	_ =	shalt  }
0x50: {  	_ =	shalt  }
0x51: {  	_ =	shalt  }
0x52: {  	_ =	shalt  }
0x53: {  	_ =	shalt  }
0x54: {  	_ =	shalt  }
0x55: {  	_ =	shalt  }
0x56: {  	_ =	shalt  }
0x57: {  	_ =	shalt  }
0x58: {  	_ =	shalt  }
0x59: {  	_ =	shalt  }
0x5a: {  	_ =	shalt  }
0x5b: {  	_ =	shalt  }
0x5c: {  	_ =	shalt  }
0x5d: {  	_ =	shalt  }
0x5e: {  	_ =	shalt  }
0x5f: {  	_ =	shalt  }
0x60: {  	_ =	shalt  }
0x61: {  	_ =	shalt  }
0x62: {  	_ =	shalt  }
0x63: {  	_ =	shalt  }
0x64: {  	_ =	shalt  }
0x65: {  	_ =	shalt  }
0x66: {  	_ =	shalt  }
0x67: {  	_ =	shalt  }
0x68: {  	_ =	shalt  }
0x69: {  	_ =	shalt  }
0x6a: {  	_ =	shalt  }
0x6b: {  	_ =	shalt  }
0x6c: {  	_ =	shalt  }
0x6d: {  	_ =	shalt  }
0x6e: {  	_ =	shalt  }
0x6f: {  	_ =	shalt  }
0x70: {  	_ =	shalt  }
0x71: {  	_ =	shalt  }
0x72: {  	_ =	shalt  }
0x73: {  	_ =	shalt  }
0x74: {  	_ =	shalt  }
0x75: {  	_ =	shalt  }
0x76: {  	_ =	shalt  }
0x77: {  	_ =	shalt  }
0x78: {  	_ =	shalt  }
0x79: {  	_ =	shalt  }
0x7a: {  	_ =	shalt  }
0x7b: {  	_ =	shalt  }
0x7c: {  	_ =	shalt  }
0x7d: {  	_ =	shalt  }
0x7e: {  	_ =	shalt  }
0x7f: {  	_ =	shalt  }
0x80: {  	_ =	shalt  }
0x81: {  	_ =	shalt  }
0x82: {  	_ =	shalt  }
0x83: {  	_ =	shalt  }
0x84: {  	_ =	shalt  }
0x85: {  	_ =	shalt  }
0x86: {  	_ =	shalt  }
0x87: {  	_ =	shalt  }
.Lfunc_end0:
.L_simem_size_0:
called_computation_lowered:
.L_overlay_start_0:
0x88: {  	s2 =	sld [smem:$0x3FD9]  }
0x89: {  	s3 =	sld [smem:$0x3FFE];
	_ =	sdelay $0x1  }
0x8a: {  	s1 =	srdreg.scid  }
0x8b: {  	s0 =	sand.u32 $0x1, s1  }
0x8c: {  	s14 =	sshll.u32 s0, $0xA;
	s2 =	sadd.s32 s3, s2  }
0x8d: {  	s2 =	sadd.s32 s2, s14  }
0x8e: {  	[smem:$0x3FBA] =	sst s2  }
0x8f: {  	_ = 	snop  }
0x90: {  	s2 =	sld [smem:$0x3FD0];
	_ =	sdelay $0x2  }
0x91: {  	s15 =	simm.s32 $0xB;
	s4 =	simm.s32 $0x10  }
0x92: {  	[smem:s4], [sflag:s15] =	dma.local [hbm:s2], $0x1  }
0x93: {  	_ =	swait.eq [sflag:s15], $0x1  }
0x94: {  	[sflag:s15] =	ssyncset.done $0x0  }
0x95: {  	[sflag:s15] =	ssyncadd.s32 $0xFFFFFFFF  }
0x96: {  	s16 =	sld [smem:$0x10];
	(tm) =	ssettm $0x1  }
0x97: {  	s17 =	sld [smem:$0x3FFB];
	_ =	sdelay $0x3  }
0x98: {  	_ =	strace s17  }
0x99: {  	s3 =	sld [smem:$0x3FFC];
	_ =	sdelay $0x3  }
0x9a: {  	_ =	strace s3  }
0x9b: {  	s3 =	sld [smem:$0x3FFD];
	_ =	sdelay $0x3  }
0x9c: {  	_ =	strace s3  }
0x9d: {  	_ =	strace $0x8FFFFFFF  }
0x9e: {  	s18 =	sld [smem:$0x3FDB];
	_ =	sdelay $0x1  }
0x9f: {  	s19 =	simm.s32 $_scs_section_size  }
0xa0: {  	s5 =	simm.s32 $_size__tile_overlayer_lowered;
	s6 =	simm.s32 $_tile_overlayer_lowered  }
0xa1: {  	s22 =	simm.s32 $0x1BFF;
	s21 =	sshll.u32 s6, $0x1;
	s3 =	sadd.s32 s19, s18  }
0xa2: {  	s7 =	simm.s32 $0x0;
	s20 =	sshll.u32 s5, $0x1;
	s5 =	sadd.s32 s21, s3  }
0xa3: {  	[timem:s7], [sflag:s22] =	dma.local [hbm:s5], s20  }
0xa4: {  	_ =	swait.ge [sflag:s22], s20  }
0xa5: {  	s4 =	ssub.s32 $0x0, s20;
	[sflag:s22] =	ssyncset.done $0x0  }
0xa6: {  	[sflag:s22] =	ssyncadd.s32 s4;
	_ =	sdelay $0x1  }
0xa7: {  	s23 =	simm.s32 $0x1B8B  }
0xa8: {  	_ =	swait.ge [sflag:s23], $0x1  }
0xa9: {  	[sflag:s23] =	ssyncset.done $0x0  }
0xaa: {  	s25 =	simm.s32 $0x1B8E;
	s24 =	sld [smem:$0x3FFE];
	[sflag:s23] =	ssyncadd.s32 $0xFFFFFFFF  }
0xab: {  	s26 =	simm.s32 $execute0_lowered;
	[smem:$0x3FD2] =	sst s25  }
0xac: {  	s5 =	sshll.u32 s26, $0x1;
	_ =	strace $0x80000046;
	[dreg:$0x1] =	wrdreg $0xFFFFFFFF  }
0xad: {  	s28 =	simm.s32 $_size_execute0_lowered;
	s3 =	sadd.s32 s3, s5;
	[dreg:$0x0] =	wrdreg $0x0  }
0xae: {  	s5 =	sshll.u32 s28, $0x1;
	[dreg:$0x2] =	wrdreg s3  }
0xaf: {  	[dreg:$0x3] =	wrdreg s5  }
0xb0: {  	[dreg:$0x4] =	wrdreg $0xC0  }
0xb1: {  	_ =	task [dreg:s7], $0x5FFFF  }
0xb2: {  	[dreg:$0x1] =	wrdreg $0xFFFFFFFF  }
0xb3: {  	[dreg:$0x0] =	wrdreg $0x60  }
0xb4: {  	[dreg:$0x2] =	wrdreg s24  }
0xb5: {  	[dreg:$0x3] =	wrdreg s16  }
0xb6: {  	[dreg:$0x4] =	wrdreg $0x0  }
0xb7: {  	[dreg:$0x5] =	wrdreg $0x9  }
0xb8: {  	_ =	task.clear_ibuf [dreg:s7], $0x6FFFF;
	_ =	strace $0x90000046  }
0xb9: {  	s29 =	simm.s32 $0x9;
	_ =	strace $0x80000048  }
0xba: {  	_ =	swait.ge [sflag:s29], $0x1  }
0xbb: {  	[sflag:s29] =	ssyncadd.s32 $0xFFFFFFFF  }
0xbc: {  	_ =	strace $0x90000048  }
0xbd: {  	_ =	sfence  }
0xbe: {  	s30 =	sld [smem:$0x0];
	_ =	sdelay $0x2  }
0xbf: {  	s31 =	sshll.u32 s1, $0xD;
	s1 =	sshrl.u32 s1, $0x2  }
0xc0: {  	s3 =	sand.u32 $0x4000, s31;
	s1 =	sadd.s32 s1, s30  }
0xc1: {  	s0 =	sor.u32 s3, s0;
	s1 =	sshll.u32 s1, $0x11  }
0xc2: {  	s0 =	sor.u32 s1, s0  }
0xc3: {  	s0 =	sadd.s32 $0x8F2B, s0  }
0xc4: {  	[sflag:s0] =	ssyncadd.remote.s32 $0x1  }
0xc5: {  	_ =	sfence.sel $0xFFFF  }
0xc6: {  	[dreg:$0x0] =	wrdreg $0xFFFFFFFF;
	(pc) =	sbr.abs _section_cstart, $3  }
0xc7: {  	[dreg:$0x1] =	wrdreg $0xFFFFFFFF  }
0xc8: {  	_ =	task.clear_ibuf [dreg:s7], $0x2FFFF;
	_ =	strace $0x9FFFFFFF  }
0xc9: {  	(tm) =	ssettm $0x7FFFFFFF  }
tec
execute0_lowered:
.L_overlay_start_1:
0x0: {  	(tag) =	ssettag $0x1  }
0x1: {  	s4 =	rddreg [dreg:$0x0]  }
0x2: {  	s6 =	rddreg [dreg:$0x1]  }
0x3: {  	s1 =	srdreg.scid;
	s0 =	stileid.u32  }
0x4: {  	s2 =	rddreg [dreg:$0x2];
	s3 =	simm.s32 $0x0;
	s13 =	simm.s32 $0x280  }
0x5: {  	s14 =	simm.s32 $0x1;
	s15 =	simm.s32 $0x2A80;
	s16 =	simm.s32 $0x50  }
0x6: {  	s17 =	simm.s32 $0x3E80;
	s5 =	sand.u32 $0x1, s1;
	s1 =	rddreg [dreg:$0x3]  }
0x7: {  	s7 =	sshll.u32 s0, $0x1;
	[smem:$0x7FF] =	sst s3;
	s9 =	sshll.u32 s0, $0xA  }
0x8: {  	s18 =	sshll.u32 s0, $0x7;
	p0 =	sgt.u32 s0, $0x9;
	s7 =	sor.u32 s5, s7  }
0x9: {  	_ =	strace $0x80000047;
	s31 =	ssub.s32 $0x2, s5;
	s11 =	smul.u32 $0x500, s5  }
0xa: {  	s12 =	sadd.s32 s9, s2;
	s7 =	smul.u32 $0xA00, s7;
	s8 =	sshrl.u32 s31, $0x1  }
0xb: {  	s12 =	sshrl.u32 @!p0 s12, $0x3;
	s19 =	sadd.s32 s6, s11;
	s11 =	sshll.u32 @!p0 s0, $0x6  }
0xc: {  	s10 =	sadd.s32 s7, s4;
	s4 =	sadd.s32 $0x17A00, s4;
	s7 =	ssub.s32 s31, s8  }
0xd: {  	v0 =	vlaneseq.u32;
	s11 =	sor.u32 @!p0 $0x1C01, s11;
	s5 =	sadd.s32 s4, s18;
	s6 =	smax.u32 s7, $0x1  }
0xe: {  	v5 =	vimm.f32 $1.000000000e+00;
	v1 =	vor.u32 $0x10, v0;
	s7 =	sadd.s32 $0x3A00, s10;
	s8 =	sadd.s32 $0x3C80, s10;
	s9 =	sadd.s32 $0x3F00, s10  }
0xf: {  	v2 =	vor.u32 $0x20, v0;
	v3 =	vor.u32 $0x30, v0;
	v4 =	vor.u32 $0x40, v0;
	s10 =	sadd.s32 $0x4180, s10;
	s18 =	sadd.s32 @!p0 s18, s19;
	s19 =	simm.s32 $0x0  }
.LBB2_1:
0x10: {  	[spmem:s12], [sflag:s11] =	dma.local @!p0 [hbm:s5], $0x80  }
0x11: {  	s20 =	simm.s32 @!p0 $0x1  }
0x12: {  	_ =	swait.ge @!p0 [sflag:s20], $0x80  }
0x13: {  	[sflag:s20] =	ssyncset.done @!p0 $0x0  }
0x14: {  	[sflag:s20] =	ssyncadd.s32 @!p0 $0xFFFFFF80  }
0x15: {  	[tilespmem:s13], [sflag:$0x1] =	stream.linear.gather [hbm4b:s4+s3], $0x2800, $0x38;
	[tilespmem:$0x3F00] =	vst v63  }
0x16: {  	_ =	swait.ge [sflag:s14], $0x2800  }
0x17: {  	[sflag:s14] =	ssyncset.done $0x0  }
0x18: {  	[sflag:s14] =	ssyncadd.s32 $0xFFFFD800  }
0x19: {  	[tilespmem:$0x3E80] =	vst v0  }
0x1a: {  	[tilespmem:$0x3E90] =	vst v1  }
0x1b: {  	[tilespmem:$0x3EA0] =	vst v2  }
0x1c: {  	[tilespmem:$0x3EB0] =	vst v3  }
0x1d: {  	[tilespmem:$0x3EC0] =	vst v4  }
0x1e: {  	[bflag:$0x0] =	sbarrier.arrive $0xFFFF  }
0x1f: {  	[tilespmem:s15], [sflag:$0x1] =	stream.linear.gather [hbm4b:s7+s3], $0x1400, $0x38;
	[tilespmem:$0x3F00] =	vst v63  }
0x20: {  	_ =	swait.ge [sflag:s14], $0x1400  }
0x21: {  	[sflag:s14] =	ssyncset.done $0x0  }
0x22: {  	s20 =	simm.s32 $0x0;
	[sflag:s14] =	ssyncadd.s32 $0xFFFFEC00  }
.LBB2_2:
0x23: {  	s21 =	sshra.s32 s20, $0x2  }
0x24: {  	v6 =	vld [tilespmem:s21+$0x2A80];
	_ =	sdelay $0x7  }
0x25: {  	[tilespmem:v6+s13+$0x0] =	vst.idx.add.f32.msk $0xffff, v5  }
0x26: {  	v6 =	vld [tilespmem:s21+$0x2A90];
	_ =	sdelay $0x7  }
0x27: {  	[tilespmem:v6+s13+$0x0] =	vst.idx.add.f32.msk $0xffff, v5  }
0x28: {  	v6 =	vld [tilespmem:s21+$0x2AA0];
	_ =	sdelay $0x7  }
0x29: {  	[tilespmem:v6+s13+$0x0] =	vst.idx.add.f32.msk $0xffff, v5  }
0x2a: {  	v6 =	vld [tilespmem:s21+$0x2AB0];
	_ =	sdelay $0x2  }
0x2b: {  	p1 =	sne.s32 s20, $0x4E00  }
.Ltmp0:
0x2c: {  	_ = 	snop;
	(pc) =	sbr.rel @p1 .LBB2_2-.Ltmp0, $2  }
0x2d: {  	_ =	sdelay $0x2  }
0x2e: {  	s20 =	sadd.s32 $0x200, s20;
	[tilespmem:v6+s13+$0x0] =	vst.idx.add.f32.msk $0xffff, v5  }
0x2f: {  	s20 =	simm.s32 $0x0  }
0x30: {  	[tilespmem:s15], [sflag:$0x1] =	stream.linear.gather [hbm4b:s8+s20], $0x1400, $0x38;
	[tilespmem:$0x3F00] =	vst v63  }
0x31: {  	_ =	swait.ge [sflag:s14], $0x1400  }
0x32: {  	[sflag:s14] =	ssyncset.done $0x0  }
0x33: {  	[sflag:s14] =	ssyncadd.s32 $0xFFFFEC00  }
.LBB2_4:
0x34: {  	s21 =	sshra.s32 s20, $0x2  }
0x35: {  	v6 =	vld [tilespmem:s21+$0x2A80];
	_ =	sdelay $0x7  }
0x36: {  	[tilespmem:v6+s13+$0x0] =	vst.idx.add.f32.msk $0xffff, v5  }
0x37: {  	v6 =	vld [tilespmem:s21+$0x2A90];
	_ =	sdelay $0x7  }
0x38: {  	[tilespmem:v6+s13+$0x0] =	vst.idx.add.f32.msk $0xffff, v5  }
0x39: {  	v6 =	vld [tilespmem:s21+$0x2AA0];
	_ =	sdelay $0x7  }
0x3a: {  	[tilespmem:v6+s13+$0x0] =	vst.idx.add.f32.msk $0xffff, v5  }
0x3b: {  	v6 =	vld [tilespmem:s21+$0x2AB0];
	_ =	sdelay $0x2  }
0x3c: {  	p1 =	sne.s32 s20, $0x4E00  }
.Ltmp1:
0x3d: {  	_ = 	snop;
	(pc) =	sbr.rel @p1 .LBB2_4-.Ltmp1, $2  }
0x3e: {  	_ =	sdelay $0x2  }
0x3f: {  	s20 =	sadd.s32 $0x200, s20;
	[tilespmem:v6+s13+$0x0] =	vst.idx.add.f32.msk $0xffff, v5  }
0x40: {  	s20 =	simm.s32 $0x0  }
0x41: {  	[tilespmem:s15], [sflag:$0x1] =	stream.linear.gather [hbm4b:s9+s20], $0x1400, $0x38;
	[tilespmem:$0x3F00] =	vst v63  }
0x42: {  	_ =	swait.ge [sflag:s14], $0x1400  }
0x43: {  	[sflag:s14] =	ssyncset.done $0x0  }
0x44: {  	[sflag:s14] =	ssyncadd.s32 $0xFFFFEC00  }
.LBB2_6:
0x45: {  	s21 =	sshra.s32 s20, $0x2  }
0x46: {  	v6 =	vld [tilespmem:s21+$0x2A80];
	_ =	sdelay $0x7  }
0x47: {  	[tilespmem:v6+s13+$0x0] =	vst.idx.add.f32.msk $0xffff, v5  }
0x48: {  	v6 =	vld [tilespmem:s21+$0x2A90];
	_ =	sdelay $0x7  }
0x49: {  	[tilespmem:v6+s13+$0x0] =	vst.idx.add.f32.msk $0xffff, v5  }
0x4a: {  	v6 =	vld [tilespmem:s21+$0x2AA0];
	_ =	sdelay $0x7  }
0x4b: {  	[tilespmem:v6+s13+$0x0] =	vst.idx.add.f32.msk $0xffff, v5  }
0x4c: {  	v6 =	vld [tilespmem:s21+$0x2AB0];
	_ =	sdelay $0x2  }
0x4d: {  	p1 =	sne.s32 s20, $0x4E00  }
.Ltmp2:
0x4e: {  	_ = 	snop;
	(pc) =	sbr.rel @p1 .LBB2_6-.Ltmp2, $2  }
0x4f: {  	_ =	sdelay $0x2  }
0x50: {  	s20 =	sadd.s32 $0x200, s20;
	[tilespmem:v6+s13+$0x0] =	vst.idx.add.f32.msk $0xffff, v5  }
0x51: {  	s20 =	simm.s32 $0x0  }
0x52: {  	[tilespmem:s15], [sflag:$0x1] =	stream.linear.gather [hbm4b:s10+s20], $0x1400, $0x38;
	[tilespmem:$0x3F00] =	vst v63  }
0x53: {  	_ =	swait.ge [sflag:s14], $0x1400  }
0x54: {  	[sflag:s14] =	ssyncset.done $0x0  }
0x55: {  	[sflag:s14] =	ssyncadd.s32 $0xFFFFEC00  }
.LBB2_8:
0x56: {  	s21 =	sshra.s32 s20, $0x2  }
0x57: {  	v6 =	vld [tilespmem:s21+$0x2A80];
	_ =	sdelay $0x7  }
0x58: {  	[tilespmem:v6+s13+$0x0] =	vst.idx.add.f32.msk $0xffff, v5  }
0x59: {  	v6 =	vld [tilespmem:s21+$0x2A90];
	_ =	sdelay $0x7  }
0x5a: {  	[tilespmem:v6+s13+$0x0] =	vst.idx.add.f32.msk $0xffff, v5  }
0x5b: {  	v6 =	vld [tilespmem:s21+$0x2AA0];
	_ =	sdelay $0x7  }
0x5c: {  	[tilespmem:v6+s13+$0x0] =	vst.idx.add.f32.msk $0xffff, v5  }
0x5d: {  	v6 =	vld [tilespmem:s21+$0x2AB0];
	_ =	sdelay $0x2  }
0x5e: {  	p1 =	sne.s32 s20, $0x4E00  }
.Ltmp3:
0x5f: {  	_ = 	snop;
	(pc) =	sbr.rel @p1 .LBB2_8-.Ltmp3, $2  }
0x60: {  	_ =	sdelay $0x2  }
0x61: {  	s20 =	sadd.s32 $0x200, s20;
	[tilespmem:v6+s13+$0x0] =	vst.idx.add.f32.msk $0xffff, v5  }
0x62: {  	[spmem:s2] =	stream.indirect.scatter.add.f32 [tilespmem:s13], [sflag:$0x1], $0x80, s17, s16, $0xb8;
	[tilespmem:$0x3F00] =	vst v63  }
0x63: {  	_ =	swait.ge [sflag:s14], $0x2800  }
0x64: {  	s19 =	sadd.s32 $0x1, s19;
	[sflag:s14] =	ssyncset.done $0x0  }
0x65: {  	p1 =	sne.s32 s19, s6;
	[sflag:s14] =	ssyncadd.s32 $0xFFFFD800  }
.Ltmp4:
0x66: {  	s20 =	simm.s32 @!p0 $0x1;
	[bflag:$0x0] =	sbarrier.arrive $0xFFFF;
	(pc) =	sbr.rel @p1 .LBB2_1-.Ltmp4, $4  }
0x67: {  	[hbm:s18], [sflag:s11] =	dma.local @!p0 [spmem:s12], $0x80  }
0x68: {  	_ =	swait.ge @!p0 [sflag:s20], $0x80  }
0x69: {  	[sflag:s20] =	ssyncset.done @!p0 $0x0  }
0x6a: {  	[sflag:s20] =	ssyncadd.s32 @!p0 $0xFFFFFF80  }
0x6b: {  	_ =	sfence.sel $0x180000  }
0x6c: {  	[bflag:$0x0] =	sbarrier.arrive $0xFFFF  }
0x6d: {  	p0 =	sne.s32 s0, $0x0;
	_ =	strace $0x90000047  }
0x6e: {  	s0 =	sadd.s32 @!p0 $0x100000, s1;
	[bflag:$0x2] =	sbarrier.arrive $0xFFFF  }
0x6f: {  	[sflag:s0] =	ssyncadd.tile.s32 @!p0 $0x1;
	_ =	shalt  }
.Lfunc_end2:
_tile_overlayer_lowered:
.L_overlay_start_2:
0x70: {  	(tag) =	ssettag $0x2  }
0x71: {  	s0 =	rddreg [dreg:$0x0];
	s2 =	stileid.u32  }
0x72: {  	s1 =	rddreg [dreg:$0x1];
	p0 =	sne.s32 s2, $0x0  }
0x73: {  	s3 =	rddreg [dreg:$0x2];
	[bflag:$0x3] =	sbarrier.arrive $0xFFFF;
	s2 =	simm.s32 @!p0 $0x1C01  }
0x74: {  	[timem:s3], [sflag:s2] =	dma.local @!p0 [hbm:s0], s1  }
0x75: {  	s0 =	simm.s32 @!p0 $0x1  }
0x76: {  	_ =	swait.ge @!p0 [sflag:s0], s1  }
0x77: {  	s1 =	ssub.s32 @!p0 $0x0, s1;
	[sflag:s0] =	ssyncset.done @!p0 $0x0  }
0x78: {  	[sflag:s0] =	ssyncadd.s32 @!p0 s1  }
0x79: {  	[bflag:$0x3] =	sbarrier.arrive $0xFFFF  }
0x7a: {  	_ =	shalt  }

// kernel: kernel.15.cloned.1.call-start
scs
__scs_entry_jumppad:
0x0: {  	(pc) =	sbr.rel $0x88, $3  }
0x1: {  	(tag) =	ssettag $0x0;
	lr =	simm.s32 $0x1  }
0x2: {  	[smem:$0x3F93] =	sst lr;
	_ =	strace $0xD0000000  }
0x3: {  	_ = 	snop  }
0x4: {  	_ = 	snop  }
0x5: {  	_ = 	snop  }
0x6: {  	_ = 	snop  }
0x7: {  	_ = 	snop  }
__scs_overlays_trampoline_lowered:
0x8: {  	[smem:$0x3FA2] =	sst s0  }
0x9: {  	[smem:$0x3FA3] =	sst s1  }
0xa: {  	[smem:$0x3FA4] =	sst s2  }
0xb: {  	[smem:$0x3FA5] =	sst s3  }
0xc: {  	[smem:$0x3FA6] =	sst s4  }
0xd: {  	[smem:$0x3FA7] =	sst s5  }
0xe: {  	[smem:$0x3FA8] =	sst s6  }
0xf: {  	[smem:$0x3FA9] =	sst s7  }
0x10: {  	[smem:$0x3FAA] =	sst s8  }
0x11: {  	[smem:$0x3FAB] =	sst s9;
	s0 =	simm.s32 @!p0 $0x0  }
0x12: {  	s1 =	sld [smem:$0x3F91];
	s0 =	simm.s32 @p0 $0x1  }
0x13: {  	[smem:$0x3FAC] =	sst s0;
	s0 =	simm.s32 @!p1 $0x0  }
0x14: {  	s2 =	sld [smem:$0x3F90];
	s0 =	simm.s32 @p1 $0x1  }
0x15: {  	[smem:$0x3FAD] =	sst s0;
	s0 =	simm.s32 @!p2 $0x0  }
0x16: {  	s3 =	sld [smem:$0x3FDB];
	s0 =	simm.s32 @p2 $0x1  }
0x17: {  	s4 =	simm.s32 $0x1BF5;
	[smem:$0x3FAF] =	sst s0  }
0x18: {  	s0 =	sld [smem:$0x3F92];
	_ =	swait.ge [sflag:s4], $0x0  }
0x19: {  	s7 =	sld [smem:$0x3F93]  }
0x1a: {  	s8 =	sadd.s32 $0xFFFFE003, lr  }
0x1b: {  	s9 =	sadd.s32 $0xFFFFFEF7, lr;
	s5 =	simm.s32 $0xFFFFFFFF;
	p2 =	slt.u32 s8, $0xFFFFF086  }
0x1c: {  	p1 =	slt.u32 s9, $0xF7A;
	s5 =	simm.s32 @!p2 $0x0  }
0x1d: {  	s5 =	simm.s32 @p1 $0x1;
	p0 =	seq.s32 s7, s2  }
0x1e: {  	s7 =	smul.u32 @!p0 $0xF7A, s2;
	p2 =	seq.s32 @!p0 s5, $0x0  }
0x1f: {  	s9 =	smul.u32 $0xF7A, s1;
	s8 =	simm.s32 @!p0 $0x1BF5;
	p2 =	por !p2, p0  }
0x20: {  	[sflag:s8] =	ssyncset.s32 @!p0 $0xFFFFF086;
	s6 =	sadd.s32 @!p0 s3, s7;
	s7 =	simm.s32 @!p0 $0x108  }
0x21: {  	s3 =	sadd.s32 s3, s9;
	s6 =	sadd.s32 @!p0 $0x88, s6;
	s7 =	simm.s32 @p2 $0x1082  }
0x22: {  	[simem:s7], [sflag:s8] =	dma.local @!p0 [hbm:s6], $0xF7A  }
0x23: {  	s9 =	sor.u32 $0xD0000000, s2;
	s6 =	simm.s32 $0x108;
	_ =	swait.ge @!p0 [sflag:s8], $0x0  }
0x24: {  	s3 =	sadd.s32 $0x88, s3;
	s6 =	simm.s32 @!p1 $0x1082;
	[sflag:s4] =	ssyncset.s32 $0xFFFFF086  }
0x25: {  	[simem:s6], [sflag:s4] =	dma.local [hbm:s3], $0xF7A  }
0x26: {  	[smem:$0x3F93] =	sst s1;
	(tag) =	ssettag s2;
	_ =	strace s9  }
0x27: {  	s1 =	sld [smem:$0x3FA3]  }
0x28: {  	s2 =	sld [smem:$0x3FA4]  }
0x29: {  	s4 =	sld [smem:$0x3FA6]  }
0x2a: {  	p0 =	seq.s32 s5, $0x0;
	s5 =	sld [smem:$0x3FA7]  }
0x2b: {  	s6 =	sld [smem:$0x3FA8]  }
0x2c: {  	s7 =	sld [smem:$0x3FA9]  }
0x2d: {  	s3 =	simm.s32 $0x108;
	s8 =	sld [smem:$0x3FAA]  }
0x2e: {  	s3 =	simm.s32 @!p0 $0x1082;
	s9 =	sld [smem:$0x3FAB]  }
0x2f: {  	lr =	sadd.s32 s0, s3;
	s0 =	sld [smem:$0x3FA2]  }
0x30: {  	s3 =	sld [smem:$0x3FA5]  }
0x31: {  	[smem:$0x3FAE] =	sst s10  }
0x32: {  	s10 =	sld [smem:$0x3FAC];
	_ =	sdelay $0x3  }
0x33: {  	p0 =	seq.s32 s10, $0x1;
	s10 =	sld [smem:$0x3FAE];
	_ =	sdelay $0x3  }
0x34: {  	[smem:$0x3FAE] =	sst s10  }
0x35: {  	s10 =	sld [smem:$0x3FAD];
	_ =	sdelay $0x3  }
0x36: {  	p1 =	seq.s32 s10, $0x1;
	s10 =	sld [smem:$0x3FAE];
	_ =	sdelay $0x3  }
0x37: {  	[smem:$0x3FAE] =	sst s10  }
0x38: {  	s10 =	sld [smem:$0x3FAF]  }
0x39: {  	_ = 	snop;
	(pc) =	sbr.ind lr, $3  }
0x3a: {  	_ = 	snop  }
0x3b: {  	_ = 	snop  }
0x3c: {  	p2 =	seq.s32 s10, $0x1;
	s10 =	sld [smem:$0x3FAE]  }
0x3d: {  	_ =	shalt  }
0x3e: {  	_ =	shalt  }
0x3f: {  	_ =	shalt  }
0x40: {  	_ =	shalt  }
0x41: {  	_ =	shalt  }
0x42: {  	_ =	shalt  }
0x43: {  	_ =	shalt  }
0x44: {  	_ =	shalt  }
0x45: {  	_ =	shalt  }
0x46: {  	_ =	shalt  }
0x47: {  	_ =	shalt  }
0x48: {  	_ =	shalt  }
0x49: {  	_ =	shalt  }
0x4a: {  	_ =	shalt  }
0x4b: {  	_ =	shalt  }
0x4c: {  	_ =	shalt  }
0x4d: {  	_ =	shalt  }
0x4e: {  	_ =	shalt  }
0x4f: {  	_ =	shalt  }
0x50: {  	_ =	shalt  }
0x51: {  	_ =	shalt  }
0x52: {  	_ =	shalt  }
0x53: {  	_ =	shalt  }
0x54: {  	_ =	shalt  }
0x55: {  	_ =	shalt  }
0x56: {  	_ =	shalt  }
0x57: {  	_ =	shalt  }
0x58: {  	_ =	shalt  }
0x59: {  	_ =	shalt  }
0x5a: {  	_ =	shalt  }
0x5b: {  	_ =	shalt  }
0x5c: {  	_ =	shalt  }
0x5d: {  	_ =	shalt  }
0x5e: {  	_ =	shalt  }
0x5f: {  	_ =	shalt  }
0x60: {  	_ =	shalt  }
0x61: {  	_ =	shalt  }
0x62: {  	_ =	shalt  }
0x63: {  	_ =	shalt  }
0x64: {  	_ =	shalt  }
0x65: {  	_ =	shalt  }
0x66: {  	_ =	shalt  }
0x67: {  	_ =	shalt  }
0x68: {  	_ =	shalt  }
0x69: {  	_ =	shalt  }
0x6a: {  	_ =	shalt  }
0x6b: {  	_ =	shalt  }
0x6c: {  	_ =	shalt  }
0x6d: {  	_ =	shalt  }
0x6e: {  	_ =	shalt  }
0x6f: {  	_ =	shalt  }
0x70: {  	_ =	shalt  }
0x71: {  	_ =	shalt  }
0x72: {  	_ =	shalt  }
0x73: {  	_ =	shalt  }
0x74: {  	_ =	shalt  }
0x75: {  	_ =	shalt  }
0x76: {  	_ =	shalt  }
0x77: {  	_ =	shalt  }
0x78: {  	_ =	shalt  }
0x79: {  	_ =	shalt  }
0x7a: {  	_ =	shalt  }
0x7b: {  	_ =	shalt  }
0x7c: {  	_ =	shalt  }
0x7d: {  	_ =	shalt  }
0x7e: {  	_ =	shalt  }
0x7f: {  	_ =	shalt  }
0x80: {  	_ =	shalt  }
0x81: {  	_ =	shalt  }
0x82: {  	_ =	shalt  }
0x83: {  	_ =	shalt  }
0x84: {  	_ =	shalt  }
0x85: {  	_ =	shalt  }
0x86: {  	_ =	shalt  }
0x87: {  	_ =	shalt  }
.Lfunc_end0:
.L_simem_size_0:
called_computation.1_lowered:
.L_overlay_start_0:
0x88: {  	s2 =	sld [smem:$0x3FD9]  }
0x89: {  	s3 =	sld [smem:$0x3FFE];
	_ =	sdelay $0x1  }
0x8a: {  	s1 =	srdreg.scid  }
0x8b: {  	s0 =	sand.u32 $0x1, s1  }
0x8c: {  	s17 =	sshll.u32 s0, $0xA;
	s2 =	sadd.s32 s3, s2  }
0x8d: {  	s2 =	sadd.s32 s2, s17  }
0x8e: {  	[smem:$0x3FBA] =	sst s2  }
0x8f: {  	_ = 	snop  }
0x90: {  	(tm) =	ssettm $0x1  }
0x91: {  	s18 =	sld [smem:$0x3FFB];
	_ =	sdelay $0x3  }
0x92: {  	_ =	strace s18  }
0x93: {  	s2 =	sld [smem:$0x3FFC];
	_ =	sdelay $0x3  }
0x94: {  	_ =	strace s2  }
0x95: {  	s2 =	sld [smem:$0x3FFD];
	_ =	sdelay $0x3  }
0x96: {  	_ =	strace s2  }
0x97: {  	_ =	strace $0x8FFFFFFF  }
0x98: {  	s19 =	sld [smem:$0x3FDB];
	_ =	sdelay $0x1  }
0x99: {  	s20 =	simm.s32 $_scs_section_size  }
0x9a: {  	s4 =	simm.s32 $_size__tile_overlayer_lowered;
	s5 =	simm.s32 $_tile_overlayer_lowered  }
0x9b: {  	s6 =	simm.s32 $0x1BFF;
	s21 =	sshll.u32 s5, $0x1;
	s3 =	sadd.s32 s20, s19  }
0x9c: {  	s22 =	simm.s32 $0x0;
	s4 =	sshll.u32 s4, $0x1;
	s5 =	sadd.s32 s21, s3  }
0x9d: {  	[timem:s22], [sflag:s6] =	dma.local [hbm:s5], s4  }
0x9e: {  	_ =	swait.ge [sflag:s6], s4  }
0x9f: {  	s4 =	ssub.s32 $0x0, s4;
	[sflag:s6] =	ssyncset.done $0x0  }
0xa0: {  	[sflag:s6] =	ssyncadd.s32 s4;
	_ =	sdelay $0x1  }
0xa1: {  	s23 =	simm.s32 $0x1B8B  }
0xa2: {  	_ =	swait.ge [sflag:s23], $0x1  }
0xa3: {  	[sflag:s23] =	ssyncset.done $0x0  }
0xa4: {  	[sflag:s23] =	ssyncadd.s32 $0xFFFFFFFF  }
0xa5: {  	s4 =	sld [smem:$0x0]  }
0xa6: {  	s5 =	sand.u32 $0xFFFFFFFE, s1  }
0xa7: {  	p0 =	sne.s32 s1, s5  }
0xa8: {  	s5 =	sshll.u32 @p0 s5, $0xE  }
0xa9: {  	s5 =	sadd.s32 @p0 $0x11B8D, s5;
	s6 =	sshll.u32 @p0 s4, $0x11  }
0xaa: {  	s5 =	sor.u32 @p0 s6, s5  }
0xab: {  	[sflag:s5] =	ssyncadd.remote.s32 @p0 $0x1;
	_ =	sdelay $0x1  }
0xac: {  	s5 =	simm.s32 @p0 $0x1B8D  }
0xad: {  	_ =	swait.eq @p0 [sflag:s5], $0x1  }
0xae: {  	[sflag:s5] =	ssyncadd.s32 @p0 $0xFFFFFFFF  }
0xaf: {  	s6 =	sshll.u32 @!p0 s1, $0xE  }
0xb0: {  	s6 =	sor.u32 @!p0 $0x4000, s6;
	s5 =	simm.s32 @!p0 $0x1B8D  }
0xb1: {  	s4 =	sshll.u32 @!p0 s4, $0x11;
	s6 =	sadd.s32 @!p0 $0x11B8D, s6;
	_ =	swait.eq @!p0 [sflag:s5], $0x1  }
0xb2: {  	s4 =	sor.u32 @!p0 s4, s6;
	[sflag:s5] =	ssyncadd.s32 @!p0 $0xFFFFFFFF  }
0xb3: {  	s25 =	simm.s32 $0x1B8E;
	s24 =	sld [smem:$0x3FFE];
	[sflag:s4] =	ssyncadd.remote.s32 @!p0 $0x1  }
0xb4: {  	s26 =	simm.s32 $execute0_lowered;
	[smem:$0x3FD2] =	sst s25  }
0xb5: {  	s5 =	sshll.u32 s26, $0x1;
	_ =	strace $0x80000049;
	[dreg:$0x1] =	wrdreg $0xFFFFFFFF  }
0xb6: {  	s28 =	simm.s32 $_size_execute0_lowered;
	s3 =	sadd.s32 s3, s5;
	[dreg:$0x0] =	wrdreg $0x0  }
0xb7: {  	s5 =	sshll.u32 s28, $0x1;
	[dreg:$0x2] =	wrdreg s3  }
0xb8: {  	[dreg:$0x3] =	wrdreg s5  }
0xb9: {  	[dreg:$0x4] =	wrdreg $0xC0  }
0xba: {  	_ =	task [dreg:s22], $0x5FFFF  }
0xbb: {  	[dreg:$0x1] =	wrdreg $0xFFFFFFFF  }
0xbc: {  	[dreg:$0x0] =	wrdreg $0x60  }
0xbd: {  	[dreg:$0x2] =	wrdreg s24  }
0xbe: {  	[dreg:$0x3] =	wrdreg $0x0  }
0xbf: {  	[dreg:$0x4] =	wrdreg $0xA  }
0xc0: {  	_ =	task.clear_ibuf [dreg:s22], $0x5FFFF;
	_ =	strace $0x90000049  }
0xc1: {  	s29 =	simm.s32 $0xA;
	_ =	strace $0x8000004B  }
0xc2: {  	_ =	swait.ge [sflag:s29], $0x1  }
0xc3: {  	[sflag:s29] =	ssyncadd.s32 $0xFFFFFFFF  }
0xc4: {  	_ =	strace $0x9000004B  }
0xc5: {  	_ =	sfence  }
0xc6: {  	s30 =	sld [smem:$0x0];
	_ =	sdelay $0x2  }
0xc7: {  	s31 =	sshll.u32 s1, $0xD;
	s1 =	sshrl.u32 s1, $0x2  }
0xc8: {  	s4 =	sand.u32 $0x4000, s31;
	s1 =	sadd.s32 s1, s30  }
0xc9: {  	s0 =	sor.u32 s4, s0;
	s1 =	sshll.u32 s1, $0x11  }
0xca: {  	s0 =	sor.u32 s1, s0  }
0xcb: {  	s0 =	sadd.s32 $0x8F2B, s0  }
0xcc: {  	[sflag:s0] =	ssyncadd.remote.s32 $0x1  }
0xcd: {  	_ =	sfence.sel $0xFFFF  }
0xce: {  	[dreg:$0x0] =	wrdreg $0xFFFFFFFF;
	(pc) =	sbr.abs _section_cstart, $3  }
0xcf: {  	[dreg:$0x1] =	wrdreg $0xFFFFFFFF  }
0xd0: {  	_ =	task.clear_ibuf [dreg:s22], $0x2FFFF;
	_ =	strace $0x9FFFFFFF  }
0xd1: {  	(tm) =	ssettm $0x7FFFFFFF  }
tec
execute0_lowered:
.L_overlay_start_1:
0x0: {  	(tag) =	ssettag $0x1  }
0x1: {  	s7 =	rddreg [dreg:$0x0]  }
0x2: {  	s2 =	rddreg [dreg:$0x1]  }
0x3: {  	s0 =	rddreg [dreg:$0x2];
	s3 =	simm.s32 $0x0  }
0x4: {  	s1 =	stileid.u32;
	s4 =	srdreg.scid;
	s15 =	simm.s32 $0x40  }
0x5: {  	s16 =	simm.s32 $0x16800;
	s17 =	simm.s32 $0x14080;
	s18 =	simm.s32 $0x18800  }
0x6: {  	s19 =	simm.s32 $0x1;
	s20 =	simm.s32 $0x2;
	s21 =	simm.s32 $0x16700  }
0x7: {  	s22 =	simm.s32 $0x16780;
	[smem:$0x7FF] =	sst s3;
	s23 =	smul.u32 $0x2800, s1  }
0x8: {  	s8 =	sand.u32 $0x1, s4;
	s4 =	sadd.s32 $0x53A00, s7;
	s10 =	smul.u32 $0xC8, s1  }
0x9: {  	s5 =	sadd.s32 $0x3FA00, s7;
	s6 =	sadd.s32 $0x3A00, s7;
	s13 =	smul.u32 $0x78, s1  }
0xa: {  	s28 =	smul.u32 $0x50000, s1;
	s30 =	sshll.u32 s1, $0x6;
	_ =	strace $0x8000004A  }
0xb: {  	s9 =	smul.u32 $0x28000, s8;
	s12 =	ssub.s32 $0x2, s8;
	p0 =	seq.s32 s8, $0x0  }
0xc: {  	s11 =	sadd.s32 s23, s7;
	s26 =	sshrl.u32 s12, $0x1;
	s29 =	sshrl.u32 s28, $0x2  }
.Ltmp0:
0xd: {  	s14 =	sadd.s32 s9, s7;
	s12 =	ssub.s32 s12, s26;
	(pc) =	sbr.rel .LBB2_1-.Ltmp0, $4  }
0xe: {  	s7 =	sadd.s32 $0xC80, s13;
	s31 =	sadd.s32 s29, s2;
	s8 =	sadd.s32 $0x17A00, s11  }
0xf: {  	s9 =	sor.u32 $0x1C03, s30;
	s13 =	simm.s32 $0x14000;
	s7 =	smov.u32 @p0 s10  }
0x10: {  	s24 =	sadd.s32 $0x7AC00, s14;
	s10 =	smax.u32 s12, $0x1;
	s11 =	sshrl.u32 s31, $0x3  }
0x11: {  	s12 =	simm.s32 $0x3;
	s14 =	simm.s32 $0x15400;
	s23 =	sadd.s32 s23, s24  }
.LBB2_7:
0x12: {  	s3 =	sadd.s32 $0x1, s3  }
0x13: {  	p1 =	sne.s32 s3, s10  }
.Ltmp1:
0x14: {  	[bflag:$0x0] =	sbarrier.arrive $0xFFFF;
	(pc) =	sbr.rel @!p1 .LBB2_8-.Ltmp1, $4  }
0x15: {  	[hbm:s23], [sflag:s9] =	dma.local [spmem:s11], $0x2800  }
0x16: {  	_ =	swait.ge [sflag:s12], $0x2800  }
0x17: {  	[sflag:s12] =	ssyncset.done $0x0  }
0x18: {  	[sflag:s12] =	ssyncadd.s32 $0xFFFFD800  }
.LBB2_1:
0x19: {  	[spmem:s11], [sflag:s9] =	dma.local [hbm:s8], $0x2800  }
.Ltmp2:
0x1a: {  	_ =	swait.ge [sflag:s12], $0x2800;
	(pc) =	sbr.rel .LBB2_2-.Ltmp2, $4  }
0x1b: {  	[sflag:s12] =	ssyncset.done $0x0  }
0x1c: {  	[sflag:s12] =	ssyncadd.s32 $0xFFFFD800  }
0x1d: {  	[bflag:$0x0] =	sbarrier.arrive $0xFFFF  }
0x1e: {  	s24 =	simm.s32 $0x0  }
.LBB2_6:
0x1f: {  	s24 =	sadd.s32 $0x1, s24  }
0x20: {  	p1 =	sne.s32 s24, $0x5  }
.Ltmp3:
0x21: {  	_ = 	snop;
	(pc) =	sbr.rel @!p1 .LBB2_7-.Ltmp3, $1  }
0x22: {  	_ =	sdelay $0x3  }
.LBB2_2:
0x23: {  	p1 =	sgt.u32 @!p0 s24, $0x2  }
0x24: {  	p1 =	por p0, !p1  }
.Ltmp4:
0x25: {  	_ = 	snop;
	(pc) =	sbr.rel @!p1 .LBB2_6-.Ltmp4, $1  }
0x26: {  	_ =	sdelay $0x3  }
0x27: {  	s25 =	smul.u32 $0x28, s24;
	_ =	sdelay $0x1  }
0x28: {  	s25 =	sadd.s32 s7, s25  }
0x29: {  	s25 =	sshll.u32 s25, $0x4  }
0x2a: {  	s28 =	simm.s32 $0x0;
	s26 =	sadd.s32 s5, s25  }
0x2b: {  	[tilespmem:s13], [sflag:$0x3] =	stream.linear.gather [hbm4b:s26+s28], $0x1400, $0x38;
	[tilespmem:$0x1A800] =	vst v63  }
0x2c: {  	_ =	swait.ge [sflag:s12], $0x1400  }
0x2d: {  	[sflag:s12] =	ssyncset.done $0x0  }
0x2e: {  	s25 =	sadd.s32 s6, s25;
	[sflag:s12] =	ssyncadd.s32 $0xFFFFEC00  }
0x2f: {  	[tilespmem:s14], [sflag:$0x3] =	stream.linear.gather [hbm4b:s25+s28], $0x1400, $0x38;
	[tilespmem:$0x1A800] =	vst v63  }
0x30: {  	_ =	swait.ge [sflag:s12], $0x1400  }
0x31: {  	[sflag:s12] =	ssyncset.done $0x0  }
0x32: {  	[sflag:s12] =	ssyncadd.s32 $0xFFFFEC00  }
0x33: {  	[tilespmem:s16], [sflag:$0x1] =	stream.indirect.gather [hbm4b:s4+s15], $0x80, s13, s15, $0xb8;
	[tilespmem:$0x1A800] =	vst v63  }
0x34: {  	_ = 	snop  }
0x35: {  	[tilespmem:s18], [sflag:$0x2] =	stream.indirect.gather [hbm4b:s4+s15], $0x80, s17, s15, $0xb8;
	[tilespmem:$0x1A800] =	vst v63  }
0x36: {  	_ =	swait.ge [sflag:s19], $0x2000  }
0x37: {  	[sflag:s19] =	ssyncset.done $0x0  }
0x38: {  	s29 =	simm.s32 $0x15400;
	[sflag:s19] =	ssyncadd.s32 $0xFFFFE000  }
0x39: {  	[spmem:s2] =	stream.indirect.scatter.add.f32 [tilespmem:s16], [sflag:$0x3], $0x80, s29, s15, $0xb8;
	[tilespmem:$0x1A800] =	vst v63  }
0x3a: {  	_ =	swait.ge [sflag:s12], $0x2000  }
0x3b: {  	[sflag:s12] =	ssyncset.done $0x0  }
0x3c: {  	s30 =	simm.s32 $0x14100;
	[sflag:s12] =	ssyncadd.s32 $0xFFFFE000  }
0x3d: {  	[tilespmem:s16], [sflag:$0x1] =	stream.indirect.gather [hbm4b:s4+s15], $0x80, s30, s15, $0xb8;
	[tilespmem:$0x1A800] =	vst v63  }
0x3e: {  	_ =	swait.ge [sflag:s20], $0x2000  }
0x3f: {  	[sflag:s20] =	ssyncset.done $0x0  }
0x40: {  	s31 =	simm.s32 $0x15480;
	[sflag:s20] =	ssyncadd.s32 $0xFFFFE000  }
0x41: {  	[spmem:s2] =	stream.indirect.scatter.add.f32 [tilespmem:s18], [sflag:$0x3], $0x80, s31, s15, $0xb8;
	[tilespmem:$0x1A800] =	vst v63  }
0x42: {  	_ =	swait.ge [sflag:s12], $0x2000  }
0x43: {  	[sflag:s12] =	ssyncset.done $0x0  }
0x44: {  	s26 =	simm.s32 $0x14180;
	s25 =	simm.s32 $0x400;
	[sflag:s12] =	ssyncadd.s32 $0xFFFFE000  }
.LBB2_4:
0x45: {  	[tilespmem:s18], [sflag:$0x2] =	stream.indirect.gather [hbm4b:s4+s15], $0x80, s26, s15, $0xb8;
	[tilespmem:$0x1A800] =	vst v63  }
0x46: {  	s26 =	smov.u32 s25  }
0x47: {  	p1 =	sne.s32 s25, $0x4800;
	s25 =	sadd.s32 $0x400, s25;
	_ =	swait.ge [sflag:s19], $0x2000  }
0x48: {  	s26 =	sshra.s32 s26, $0x2;
	[sflag:s19] =	ssyncset.done $0x0  }
0x49: {  	s28 =	sadd.s32 $0x15400, s26;
	[sflag:s19] =	ssyncadd.s32 $0xFFFFE000  }
0x4a: {  	[spmem:s2] =	stream.indirect.scatter.add.f32 [tilespmem:s16], [sflag:$0x3], $0x80, s28, s15, $0xb8;
	[tilespmem:$0x1A800] =	vst v63  }
0x4b: {  	_ =	swait.ge [sflag:s12], $0x2000  }
0x4c: {  	[sflag:s12] =	ssyncset.done $0x0  }
0x4d: {  	s28 =	sadd.s32 $0x14100, s26;
	[sflag:s12] =	ssyncadd.s32 $0xFFFFE000  }
0x4e: {  	[tilespmem:s16], [sflag:$0x1] =	stream.indirect.gather [hbm4b:s4+s15], $0x80, s28, s15, $0xb8;
	[tilespmem:$0x1A800] =	vst v63  }
0x4f: {  	_ =	swait.ge [sflag:s20], $0x2000  }
0x50: {  	[sflag:s20] =	ssyncset.done $0x0  }
.Ltmp5:
0x51: {  	s28 =	sadd.s32 $0x15480, s26;
	[sflag:s20] =	ssyncadd.s32 $0xFFFFE000;
	(pc) =	sbr.rel @p1 .LBB2_4-.Ltmp5, $4  }
0x52: {  	[spmem:s2] =	stream.indirect.scatter.add.f32 [tilespmem:s18], [sflag:$0x3], $0x80, s28, s15, $0xb8;
	[tilespmem:$0x1A800] =	vst v63  }
0x53: {  	_ =	swait.ge [sflag:s12], $0x2000  }
0x54: {  	[sflag:s12] =	ssyncset.done $0x0  }
0x55: {  	s26 =	sadd.s32 $0x14180, s26;
	[sflag:s12] =	ssyncadd.s32 $0xFFFFE000  }
0x56: {  	[tilespmem:s18], [sflag:$0x2] =	stream.indirect.gather [hbm4b:s4+s15], $0x80, s26, s15, $0xb8;
	[tilespmem:$0x1A800] =	vst v63  }
0x57: {  	_ =	swait.ge [sflag:s19], $0x2000  }
0x58: {  	[sflag:s19] =	ssyncset.done $0x0  }
0x59: {  	[sflag:s19] =	ssyncadd.s32 $0xFFFFE000  }
0x5a: {  	[spmem:s2] =	stream.indirect.scatter.add.f32 [tilespmem:s16], [sflag:$0x3], $0x80, s21, s15, $0xb8;
	[tilespmem:$0x1A800] =	vst v63  }
0x5b: {  	_ =	swait.ge [sflag:s12], $0x2000  }
0x5c: {  	[sflag:s12] =	ssyncset.done $0x0  }
0x5d: {  	[sflag:s12] =	ssyncadd.s32 $0xFFFFE000  }
0x5e: {  	_ =	swait.ge [sflag:s20], $0x2000  }
0x5f: {  	[sflag:s20] =	ssyncset.done $0x0  }
.Ltmp6:
0x60: {  	[sflag:s20] =	ssyncadd.s32 $0xFFFFE000;
	(pc) =	sbr.rel .LBB2_6-.Ltmp6, $4  }
0x61: {  	[spmem:s2] =	stream.indirect.scatter.add.f32 [tilespmem:s18], [sflag:$0x3], $0x80, s22, s15, $0xb8;
	[tilespmem:$0x1A800] =	vst v63  }
0x62: {  	_ =	swait.ge [sflag:s12], $0x2000  }
0x63: {  	[sflag:s12] =	ssyncset.done $0x0  }
0x64: {  	[sflag:s12] =	ssyncadd.s32 $0xFFFFE000  }
.LBB2_8:
0x65: {  	_ =	sfence.sel $0x180000  }
0x66: {  	[bflag:$0x0] =	sbarrier.arrive $0xFFFF  }
0x67: {  	p0 =	sne.s32 s1, $0x0;
	_ =	strace $0x9000004A  }
0x68: {  	s0 =	sadd.s32 @!p0 $0x100000, s0;
	[bflag:$0x2] =	sbarrier.arrive $0xFFFF  }
0x69: {  	[sflag:s0] =	ssyncadd.tile.s32 @!p0 $0x1;
	_ =	shalt  }
.Lfunc_end2:
_tile_overlayer_lowered:
.L_overlay_start_2:
0x6a: {  	(tag) =	ssettag $0x2  }
0x6b: {  	s0 =	rddreg [dreg:$0x0];
	s2 =	stileid.u32  }
0x6c: {  	s1 =	rddreg [dreg:$0x1];
	p0 =	sne.s32 s2, $0x0  }
0x6d: {  	s3 =	rddreg [dreg:$0x2];
	[bflag:$0x3] =	sbarrier.arrive $0xFFFF;
	s2 =	simm.s32 @!p0 $0x1C03  }
0x6e: {  	[timem:s3], [sflag:s2] =	dma.local @!p0 [hbm:s0], s1  }
0x6f: {  	s0 =	simm.s32 @!p0 $0x3  }
0x70: {  	_ =	swait.ge @!p0 [sflag:s0], s1  }
0x71: {  	s1 =	ssub.s32 @!p0 $0x0, s1;
	[sflag:s0] =	ssyncset.done @!p0 $0x0  }
0x72: {  	[sflag:s0] =	ssyncadd.s32 @!p0 s1  }
0x73: {  	[bflag:$0x3] =	sbarrier.arrive $0xFFFF  }
0x74: {  	_ =	shalt  }

// kernel: kernel.18.cloned.1.call-start
scs
__scs_entry_jumppad:
0x0: {  	(pc) =	sbr.rel $0x88, $3  }
0x1: {  	(tag) =	ssettag $0x0;
	lr =	simm.s32 $0x1  }
0x2: {  	[smem:$0x3F93] =	sst lr;
	_ =	strace $0xD0000000  }
0x3: {  	_ = 	snop  }
0x4: {  	_ = 	snop  }
0x5: {  	_ = 	snop  }
0x6: {  	_ = 	snop  }
0x7: {  	_ = 	snop  }
__scs_overlays_trampoline_lowered:
0x8: {  	[smem:$0x3FA2] =	sst s0  }
0x9: {  	[smem:$0x3FA3] =	sst s1  }
0xa: {  	[smem:$0x3FA4] =	sst s2  }
0xb: {  	[smem:$0x3FA5] =	sst s3  }
0xc: {  	[smem:$0x3FA6] =	sst s4  }
0xd: {  	[smem:$0x3FA7] =	sst s5  }
0xe: {  	[smem:$0x3FA8] =	sst s6  }
0xf: {  	[smem:$0x3FA9] =	sst s7  }
0x10: {  	[smem:$0x3FAA] =	sst s8  }
0x11: {  	[smem:$0x3FAB] =	sst s9;
	s0 =	simm.s32 @!p0 $0x0  }
0x12: {  	s1 =	sld [smem:$0x3F91];
	s0 =	simm.s32 @p0 $0x1  }
0x13: {  	[smem:$0x3FAC] =	sst s0;
	s0 =	simm.s32 @!p1 $0x0  }
0x14: {  	s2 =	sld [smem:$0x3F90];
	s0 =	simm.s32 @p1 $0x1  }
0x15: {  	[smem:$0x3FAD] =	sst s0;
	s0 =	simm.s32 @!p2 $0x0  }
0x16: {  	s3 =	sld [smem:$0x3FDB];
	s0 =	simm.s32 @p2 $0x1  }
0x17: {  	s4 =	simm.s32 $0x1BF5;
	[smem:$0x3FAF] =	sst s0  }
0x18: {  	s0 =	sld [smem:$0x3F92];
	_ =	swait.ge [sflag:s4], $0x0  }
0x19: {  	s7 =	sld [smem:$0x3F93]  }
0x1a: {  	s8 =	sadd.s32 $0xFFFFE003, lr  }
0x1b: {  	s9 =	sadd.s32 $0xFFFFFEF7, lr;
	s5 =	simm.s32 $0xFFFFFFFF;
	p2 =	slt.u32 s8, $0xFFFFF086  }
0x1c: {  	p1 =	slt.u32 s9, $0xF7A;
	s5 =	simm.s32 @!p2 $0x0  }
0x1d: {  	s5 =	simm.s32 @p1 $0x1;
	p0 =	seq.s32 s7, s2  }
0x1e: {  	s7 =	smul.u32 @!p0 $0xF7A, s2;
	p2 =	seq.s32 @!p0 s5, $0x0  }
0x1f: {  	s9 =	smul.u32 $0xF7A, s1;
	s8 =	simm.s32 @!p0 $0x1BF5;
	p2 =	por !p2, p0  }
0x20: {  	[sflag:s8] =	ssyncset.s32 @!p0 $0xFFFFF086;
	s6 =	sadd.s32 @!p0 s3, s7;
	s7 =	simm.s32 @!p0 $0x108  }
0x21: {  	s3 =	sadd.s32 s3, s9;
	s6 =	sadd.s32 @!p0 $0x88, s6;
	s7 =	simm.s32 @p2 $0x1082  }
0x22: {  	[simem:s7], [sflag:s8] =	dma.local @!p0 [hbm:s6], $0xF7A  }
0x23: {  	s9 =	sor.u32 $0xD0000000, s2;
	s6 =	simm.s32 $0x108;
	_ =	swait.ge @!p0 [sflag:s8], $0x0  }
0x24: {  	s3 =	sadd.s32 $0x88, s3;
	s6 =	simm.s32 @!p1 $0x1082;
	[sflag:s4] =	ssyncset.s32 $0xFFFFF086  }
0x25: {  	[simem:s6], [sflag:s4] =	dma.local [hbm:s3], $0xF7A  }
0x26: {  	[smem:$0x3F93] =	sst s1;
	(tag) =	ssettag s2;
	_ =	strace s9  }
0x27: {  	s1 =	sld [smem:$0x3FA3]  }
0x28: {  	s2 =	sld [smem:$0x3FA4]  }
0x29: {  	s4 =	sld [smem:$0x3FA6]  }
0x2a: {  	p0 =	seq.s32 s5, $0x0;
	s5 =	sld [smem:$0x3FA7]  }
0x2b: {  	s6 =	sld [smem:$0x3FA8]  }
0x2c: {  	s7 =	sld [smem:$0x3FA9]  }
0x2d: {  	s3 =	simm.s32 $0x108;
	s8 =	sld [smem:$0x3FAA]  }
0x2e: {  	s3 =	simm.s32 @!p0 $0x1082;
	s9 =	sld [smem:$0x3FAB]  }
0x2f: {  	lr =	sadd.s32 s0, s3;
	s0 =	sld [smem:$0x3FA2]  }
0x30: {  	s3 =	sld [smem:$0x3FA5]  }
0x31: {  	[smem:$0x3FAE] =	sst s10  }
0x32: {  	s10 =	sld [smem:$0x3FAC];
	_ =	sdelay $0x3  }
0x33: {  	p0 =	seq.s32 s10, $0x1;
	s10 =	sld [smem:$0x3FAE];
	_ =	sdelay $0x3  }
0x34: {  	[smem:$0x3FAE] =	sst s10  }
0x35: {  	s10 =	sld [smem:$0x3FAD];
	_ =	sdelay $0x3  }
0x36: {  	p1 =	seq.s32 s10, $0x1;
	s10 =	sld [smem:$0x3FAE];
	_ =	sdelay $0x3  }
0x37: {  	[smem:$0x3FAE] =	sst s10  }
0x38: {  	s10 =	sld [smem:$0x3FAF]  }
0x39: {  	_ = 	snop;
	(pc) =	sbr.ind lr, $3  }
0x3a: {  	_ = 	snop  }
0x3b: {  	_ = 	snop  }
0x3c: {  	p2 =	seq.s32 s10, $0x1;
	s10 =	sld [smem:$0x3FAE]  }
0x3d: {  	_ =	shalt  }
0x3e: {  	_ =	shalt  }
0x3f: {  	_ =	shalt  }
0x40: {  	_ =	shalt  }
0x41: {  	_ =	shalt  }
0x42: {  	_ =	shalt  }
0x43: {  	_ =	shalt  }
0x44: {  	_ =	shalt  }
0x45: {  	_ =	shalt  }
0x46: {  	_ =	shalt  }
0x47: {  	_ =	shalt  }
0x48: {  	_ =	shalt  }
0x49: {  	_ =	shalt  }
0x4a: {  	_ =	shalt  }
0x4b: {  	_ =	shalt  }
0x4c: {  	_ =	shalt  }
0x4d: {  	_ =	shalt  }
0x4e: {  	_ =	shalt  }
0x4f: {  	_ =	shalt  }
0x50: {  	_ =	shalt  }
0x51: {  	_ =	shalt  }
0x52: {  	_ =	shalt  }
0x53: {  	_ =	shalt  }
0x54: {  	_ =	shalt  }
0x55: {  	_ =	shalt  }
0x56: {  	_ =	shalt  }
0x57: {  	_ =	shalt  }
0x58: {  	_ =	shalt  }
0x59: {  	_ =	shalt  }
0x5a: {  	_ =	shalt  }
0x5b: {  	_ =	shalt  }
0x5c: {  	_ =	shalt  }
0x5d: {  	_ =	shalt  }
0x5e: {  	_ =	shalt  }
0x5f: {  	_ =	shalt  }
0x60: {  	_ =	shalt  }
0x61: {  	_ =	shalt  }
0x62: {  	_ =	shalt  }
0x63: {  	_ =	shalt  }
0x64: {  	_ =	shalt  }
0x65: {  	_ =	shalt  }
0x66: {  	_ =	shalt  }
0x67: {  	_ =	shalt  }
0x68: {  	_ =	shalt  }
0x69: {  	_ =	shalt  }
0x6a: {  	_ =	shalt  }
0x6b: {  	_ =	shalt  }
0x6c: {  	_ =	shalt  }
0x6d: {  	_ =	shalt  }
0x6e: {  	_ =	shalt  }
0x6f: {  	_ =	shalt  }
0x70: {  	_ =	shalt  }
0x71: {  	_ =	shalt  }
0x72: {  	_ =	shalt  }
0x73: {  	_ =	shalt  }
0x74: {  	_ =	shalt  }
0x75: {  	_ =	shalt  }
0x76: {  	_ =	shalt  }
0x77: {  	_ =	shalt  }
0x78: {  	_ =	shalt  }
0x79: {  	_ =	shalt  }
0x7a: {  	_ =	shalt  }
0x7b: {  	_ =	shalt  }
0x7c: {  	_ =	shalt  }
0x7d: {  	_ =	shalt  }
0x7e: {  	_ =	shalt  }
0x7f: {  	_ =	shalt  }
0x80: {  	_ =	shalt  }
0x81: {  	_ =	shalt  }
0x82: {  	_ =	shalt  }
0x83: {  	_ =	shalt  }
0x84: {  	_ =	shalt  }
0x85: {  	_ =	shalt  }
0x86: {  	_ =	shalt  }
0x87: {  	_ =	shalt  }
.Lfunc_end0:
.L_simem_size_0:
called_computation.2_lowered:
.L_overlay_start_0:
0x88: {  	s2 =	sld [smem:$0x3FD9]  }
0x89: {  	s3 =	sld [smem:$0x3FFE];
	_ =	sdelay $0x1  }
0x8a: {  	s1 =	srdreg.scid  }
0x8b: {  	s0 =	sand.u32 $0x1, s1  }
0x8c: {  	s16 =	sshll.u32 s0, $0xA;
	s2 =	sadd.s32 s3, s2  }
0x8d: {  	s2 =	sadd.s32 s2, s16  }
0x8e: {  	[smem:$0x3FBA] =	sst s2  }
0x8f: {  	_ = 	snop  }
0x90: {  	(tm) =	ssettm $0x1  }
0x91: {  	s17 =	sld [smem:$0x3FFB];
	_ =	sdelay $0x3  }
0x92: {  	_ =	strace s17  }
0x93: {  	s2 =	sld [smem:$0x3FFC];
	_ =	sdelay $0x3  }
0x94: {  	_ =	strace s2  }
0x95: {  	s2 =	sld [smem:$0x3FFD];
	_ =	sdelay $0x3  }
0x96: {  	_ =	strace s2  }
0x97: {  	_ =	strace $0x8FFFFFFF  }
0x98: {  	s18 =	sld [smem:$0x3FDB];
	_ =	sdelay $0x1  }
0x99: {  	s19 =	simm.s32 $_scs_section_size  }
0x9a: {  	s4 =	simm.s32 $_size__tile_overlayer_lowered;
	s5 =	simm.s32 $_tile_overlayer_lowered  }
0x9b: {  	s22 =	simm.s32 $0x1BFF;
	s21 =	sshll.u32 s5, $0x1;
	s2 =	sadd.s32 s19, s18  }
0x9c: {  	s6 =	simm.s32 $0x0;
	s20 =	sshll.u32 s4, $0x1;
	s4 =	sadd.s32 s21, s2  }
0x9d: {  	[timem:s6], [sflag:s22] =	dma.local [hbm:s4], s20  }
0x9e: {  	_ =	swait.ge [sflag:s22], s20  }
0x9f: {  	s3 =	ssub.s32 $0x0, s20;
	[sflag:s22] =	ssyncset.done $0x0  }
0xa0: {  	[sflag:s22] =	ssyncadd.s32 s3;
	_ =	sdelay $0x1  }
0xa1: {  	s23 =	simm.s32 $0x1B8B  }
0xa2: {  	_ =	swait.ge [sflag:s23], $0x1  }
0xa3: {  	[sflag:s23] =	ssyncset.done $0x0  }
0xa4: {  	s25 =	simm.s32 $0x1B8E;
	s24 =	sld [smem:$0x3FFE];
	[sflag:s23] =	ssyncadd.s32 $0xFFFFFFFF  }
0xa5: {  	s26 =	simm.s32 $execute0_lowered;
	[smem:$0x3FD2] =	sst s25  }
0xa6: {  	s4 =	sshll.u32 s26, $0x1;
	_ =	strace $0x8000004C;
	[dreg:$0x1] =	wrdreg $0xFFFFFFFF  }
0xa7: {  	s28 =	simm.s32 $_size_execute0_lowered;
	s2 =	sadd.s32 s2, s4;
	[dreg:$0x0] =	wrdreg $0x0  }
0xa8: {  	s4 =	sshll.u32 s28, $0x1;
	[dreg:$0x2] =	wrdreg s2  }
0xa9: {  	[dreg:$0x3] =	wrdreg s4  }
0xaa: {  	[dreg:$0x4] =	wrdreg $0xC0  }
0xab: {  	_ =	task [dreg:s6], $0x5FFFF  }
0xac: {  	[dreg:$0x1] =	wrdreg $0xFFFFFFFF  }
0xad: {  	[dreg:$0x0] =	wrdreg $0x60  }
0xae: {  	[dreg:$0x2] =	wrdreg s24  }
0xaf: {  	[dreg:$0x3] =	wrdreg $0x0  }
0xb0: {  	[dreg:$0x4] =	wrdreg $0x9  }
0xb1: {  	_ =	task.clear_ibuf [dreg:s6], $0x5FFFF;
	_ =	strace $0x9000004C  }
0xb2: {  	s29 =	simm.s32 $0x9;
	_ =	strace $0x8000004E  }
0xb3: {  	_ =	swait.ge [sflag:s29], $0x1  }
0xb4: {  	[sflag:s29] =	ssyncadd.s32 $0xFFFFFFFF  }
0xb5: {  	_ =	strace $0x9000004E  }
0xb6: {  	_ =	sfence  }
0xb7: {  	s30 =	sld [smem:$0x0];
	_ =	sdelay $0x2  }
0xb8: {  	s31 =	sshll.u32 s1, $0xD;
	s1 =	sshrl.u32 s1, $0x2  }
0xb9: {  	s3 =	sand.u32 $0x4000, s31;
	s1 =	sadd.s32 s1, s30  }
0xba: {  	s0 =	sor.u32 s3, s0;
	s1 =	sshll.u32 s1, $0x11  }
0xbb: {  	s0 =	sor.u32 s1, s0  }
0xbc: {  	s0 =	sadd.s32 $0x8F2B, s0  }
0xbd: {  	[sflag:s0] =	ssyncadd.remote.s32 $0x1  }
0xbe: {  	_ =	sfence.sel $0xFFFF  }
0xbf: {  	[dreg:$0x0] =	wrdreg $0xFFFFFFFF;
	(pc) =	sbr.abs _section_cstart, $3  }
0xc0: {  	[dreg:$0x1] =	wrdreg $0xFFFFFFFF  }
0xc1: {  	_ =	task.clear_ibuf [dreg:s6], $0x2FFFF;
	_ =	strace $0x9FFFFFFF  }
0xc2: {  	(tm) =	ssettm $0x7FFFFFFF  }
0xc3: {  	_ =	shalt  }
tec
execute0_lowered:
.L_overlay_start_1:
0x0: {  	(tag) =	ssettag $0x1  }
0x1: {  	s7 =	rddreg [dreg:$0x0]  }
0x2: {  	s2 =	rddreg [dreg:$0x1]  }
0x3: {  	s0 =	rddreg [dreg:$0x2];
	s3 =	simm.s32 $0x0  }
0x4: {  	s1 =	stileid.u32;
	s4 =	srdreg.scid;
	s15 =	simm.s32 $0x40  }
0x5: {  	s16 =	simm.s32 $0x16800;
	s17 =	simm.s32 $0x14080;
	s18 =	simm.s32 $0x18800  }
0x6: {  	s19 =	simm.s32 $0x1;
	s20 =	simm.s32 $0x2;
	s21 =	simm.s32 $0x16700  }
0x7: {  	s22 =	simm.s32 $0x16780;
	[smem:$0x7FF] =	sst s3;
	s23 =	smul.u32 $0x2800, s1  }
0x8: {  	s8 =	sand.u32 $0x1, s4;
	s4 =	sadd.s32 $0x53A00, s7;
	s10 =	smul.u32 $0xC8, s1  }
0x9: {  	s5 =	sadd.s32 $0x3FA00, s7;
	s6 =	sadd.s32 $0x3A00, s7;
	s13 =	smul.u32 $0x78, s1  }
0xa: {  	s28 =	smul.u32 $0x50000, s1;
	s30 =	sshll.u32 s1, $0x6;
	_ =	strace $0x8000004D  }
0xb: {  	s9 =	smul.u32 $0x28000, s8;
	s12 =	ssub.s32 $0x2, s8;
	p0 =	seq.s32 s8, $0x0  }
0xc: {  	s11 =	sadd.s32 s23, s7;
	s26 =	sshrl.u32 s12, $0x1;
	s29 =	sshrl.u32 s28, $0x2  }
.Ltmp0:
0xd: {  	s14 =	sadd.s32 s9, s7;
	s12 =	ssub.s32 s12, s26;
	(pc) =	sbr.rel .LBB2_1-.Ltmp0, $4  }
0xe: {  	s7 =	sadd.s32 $0xC80, s13;
	s31 =	sadd.s32 s29, s2;
	s8 =	sadd.s32 $0x17A00, s11  }
0xf: {  	s9 =	sor.u32 $0x1C03, s30;
	s13 =	simm.s32 $0x14000;
	s7 =	smov.u32 @p0 s10  }
0x10: {  	s24 =	sadd.s32 $0x7AC00, s14;
	s10 =	smax.u32 s12, $0x1;
	s11 =	sshrl.u32 s31, $0x3  }
0x11: {  	s12 =	simm.s32 $0x3;
	s14 =	simm.s32 $0x15400;
	s23 =	sadd.s32 s23, s24  }
.LBB2_7:
0x12: {  	s3 =	sadd.s32 $0x1, s3  }
0x13: {  	p1 =	sne.s32 s3, s10  }
.Ltmp1:
0x14: {  	[bflag:$0x0] =	sbarrier.arrive $0xFFFF;
	(pc) =	sbr.rel @!p1 .LBB2_8-.Ltmp1, $4  }
0x15: {  	[hbm:s23], [sflag:s9] =	dma.local [spmem:s11], $0x2800  }
0x16: {  	_ =	swait.ge [sflag:s12], $0x2800  }
0x17: {  	[sflag:s12] =	ssyncset.done $0x0  }
0x18: {  	[sflag:s12] =	ssyncadd.s32 $0xFFFFD800  }
.LBB2_1:
0x19: {  	[spmem:s11], [sflag:s9] =	dma.local [hbm:s8], $0x2800  }
.Ltmp2:
0x1a: {  	_ =	swait.ge [sflag:s12], $0x2800;
	(pc) =	sbr.rel .LBB2_2-.Ltmp2, $4  }
0x1b: {  	[sflag:s12] =	ssyncset.done $0x0  }
0x1c: {  	[sflag:s12] =	ssyncadd.s32 $0xFFFFD800  }
0x1d: {  	[bflag:$0x0] =	sbarrier.arrive $0xFFFF  }
0x1e: {  	s24 =	simm.s32 $0x0  }
.LBB2_6:
0x1f: {  	s24 =	sadd.s32 $0x1, s24  }
0x20: {  	p1 =	sne.s32 s24, $0x5  }
.Ltmp3:
0x21: {  	_ = 	snop;
	(pc) =	sbr.rel @!p1 .LBB2_7-.Ltmp3, $1  }
0x22: {  	_ =	sdelay $0x3  }
.LBB2_2:
0x23: {  	p1 =	sgt.u32 @!p0 s24, $0x2  }
0x24: {  	p1 =	por p0, !p1  }
.Ltmp4:
0x25: {  	_ = 	snop;
	(pc) =	sbr.rel @!p1 .LBB2_6-.Ltmp4, $1  }
0x26: {  	_ =	sdelay $0x3  }
0x27: {  	s25 =	smul.u32 $0x28, s24;
	_ =	sdelay $0x1  }
0x28: {  	s25 =	sadd.s32 s7, s25  }
0x29: {  	s25 =	sshll.u32 s25, $0x4  }
0x2a: {  	s28 =	simm.s32 $0x0;
	s26 =	sadd.s32 s5, s25  }
0x2b: {  	[tilespmem:s13], [sflag:$0x3] =	stream.linear.gather [hbm4b:s26+s28], $0x1400, $0x38;
	[tilespmem:$0x1A800] =	vst v63  }
0x2c: {  	_ =	swait.ge [sflag:s12], $0x1400  }
0x2d: {  	[sflag:s12] =	ssyncset.done $0x0  }
0x2e: {  	s25 =	sadd.s32 s6, s25;
	[sflag:s12] =	ssyncadd.s32 $0xFFFFEC00  }
0x2f: {  	[tilespmem:s14], [sflag:$0x3] =	stream.linear.gather [hbm4b:s25+s28], $0x1400, $0x38;
	[tilespmem:$0x1A800] =	vst v63  }
0x30: {  	_ =	swait.ge [sflag:s12], $0x1400  }
0x31: {  	[sflag:s12] =	ssyncset.done $0x0  }
0x32: {  	[sflag:s12] =	ssyncadd.s32 $0xFFFFEC00  }
0x33: {  	[tilespmem:s16], [sflag:$0x1] =	stream.indirect.gather [hbm4b:s4+s15], $0x80, s13, s15, $0xb8;
	[tilespmem:$0x1A800] =	vst v63  }
0x34: {  	_ = 	snop  }
0x35: {  	[tilespmem:s18], [sflag:$0x2] =	stream.indirect.gather [hbm4b:s4+s15], $0x80, s17, s15, $0xb8;
	[tilespmem:$0x1A800] =	vst v63  }
0x36: {  	_ =	swait.ge [sflag:s19], $0x2000  }
0x37: {  	[sflag:s19] =	ssyncset.done $0x0  }
0x38: {  	s29 =	simm.s32 $0x15400;
	[sflag:s19] =	ssyncadd.s32 $0xFFFFE000  }
0x39: {  	[spmem:s2] =	stream.indirect.scatter.add.f32 [tilespmem:s16], [sflag:$0x3], $0x80, s29, s15, $0xb8;
	[tilespmem:$0x1A800] =	vst v63  }
0x3a: {  	_ =	swait.ge [sflag:s12], $0x2000  }
0x3b: {  	[sflag:s12] =	ssyncset.done $0x0  }
0x3c: {  	s30 =	simm.s32 $0x14100;
	[sflag:s12] =	ssyncadd.s32 $0xFFFFE000  }
0x3d: {  	[tilespmem:s16], [sflag:$0x1] =	stream.indirect.gather [hbm4b:s4+s15], $0x80, s30, s15, $0xb8;
	[tilespmem:$0x1A800] =	vst v63  }
0x3e: {  	_ =	swait.ge [sflag:s20], $0x2000  }
0x3f: {  	[sflag:s20] =	ssyncset.done $0x0  }
0x40: {  	s31 =	simm.s32 $0x15480;
	[sflag:s20] =	ssyncadd.s32 $0xFFFFE000  }
0x41: {  	[spmem:s2] =	stream.indirect.scatter.add.f32 [tilespmem:s18], [sflag:$0x3], $0x80, s31, s15, $0xb8;
	[tilespmem:$0x1A800] =	vst v63  }
0x42: {  	_ =	swait.ge [sflag:s12], $0x2000  }
0x43: {  	[sflag:s12] =	ssyncset.done $0x0  }
0x44: {  	s26 =	simm.s32 $0x14180;
	s25 =	simm.s32 $0x400;
	[sflag:s12] =	ssyncadd.s32 $0xFFFFE000  }
.LBB2_4:
0x45: {  	[tilespmem:s18], [sflag:$0x2] =	stream.indirect.gather [hbm4b:s4+s15], $0x80, s26, s15, $0xb8;
	[tilespmem:$0x1A800] =	vst v63  }
0x46: {  	s26 =	smov.u32 s25  }
0x47: {  	p1 =	sne.s32 s25, $0x4800;
	s25 =	sadd.s32 $0x400, s25;
	_ =	swait.ge [sflag:s19], $0x2000  }
0x48: {  	s26 =	sshra.s32 s26, $0x2;
	[sflag:s19] =	ssyncset.done $0x0  }
0x49: {  	s28 =	sadd.s32 $0x15400, s26;
	[sflag:s19] =	ssyncadd.s32 $0xFFFFE000  }
0x4a: {  	[spmem:s2] =	stream.indirect.scatter.add.f32 [tilespmem:s16], [sflag:$0x3], $0x80, s28, s15, $0xb8;
	[tilespmem:$0x1A800] =	vst v63  }
0x4b: {  	_ =	swait.ge [sflag:s12], $0x2000  }
0x4c: {  	[sflag:s12] =	ssyncset.done $0x0  }
0x4d: {  	s28 =	sadd.s32 $0x14100, s26;
	[sflag:s12] =	ssyncadd.s32 $0xFFFFE000  }
0x4e: {  	[tilespmem:s16], [sflag:$0x1] =	stream.indirect.gather [hbm4b:s4+s15], $0x80, s28, s15, $0xb8;
	[tilespmem:$0x1A800] =	vst v63  }
0x4f: {  	_ =	swait.ge [sflag:s20], $0x2000  }
0x50: {  	[sflag:s20] =	ssyncset.done $0x0  }
.Ltmp5:
0x51: {  	s28 =	sadd.s32 $0x15480, s26;
	[sflag:s20] =	ssyncadd.s32 $0xFFFFE000;
	(pc) =	sbr.rel @p1 .LBB2_4-.Ltmp5, $4  }
0x52: {  	[spmem:s2] =	stream.indirect.scatter.add.f32 [tilespmem:s18], [sflag:$0x3], $0x80, s28, s15, $0xb8;
	[tilespmem:$0x1A800] =	vst v63  }
0x53: {  	_ =	swait.ge [sflag:s12], $0x2000  }
0x54: {  	[sflag:s12] =	ssyncset.done $0x0  }
0x55: {  	s26 =	sadd.s32 $0x14180, s26;
	[sflag:s12] =	ssyncadd.s32 $0xFFFFE000  }
0x56: {  	[tilespmem:s18], [sflag:$0x2] =	stream.indirect.gather [hbm4b:s4+s15], $0x80, s26, s15, $0xb8;
	[tilespmem:$0x1A800] =	vst v63  }
0x57: {  	_ =	swait.ge [sflag:s19], $0x2000  }
0x58: {  	[sflag:s19] =	ssyncset.done $0x0  }
0x59: {  	[sflag:s19] =	ssyncadd.s32 $0xFFFFE000  }
0x5a: {  	[spmem:s2] =	stream.indirect.scatter.add.f32 [tilespmem:s16], [sflag:$0x3], $0x80, s21, s15, $0xb8;
	[tilespmem:$0x1A800] =	vst v63  }
0x5b: {  	_ =	swait.ge [sflag:s12], $0x2000  }
0x5c: {  	[sflag:s12] =	ssyncset.done $0x0  }
0x5d: {  	[sflag:s12] =	ssyncadd.s32 $0xFFFFE000  }
0x5e: {  	_ =	swait.ge [sflag:s20], $0x2000  }
0x5f: {  	[sflag:s20] =	ssyncset.done $0x0  }
.Ltmp6:
0x60: {  	[sflag:s20] =	ssyncadd.s32 $0xFFFFE000;
	(pc) =	sbr.rel .LBB2_6-.Ltmp6, $4  }
0x61: {  	[spmem:s2] =	stream.indirect.scatter.add.f32 [tilespmem:s18], [sflag:$0x3], $0x80, s22, s15, $0xb8;
	[tilespmem:$0x1A800] =	vst v63  }
0x62: {  	_ =	swait.ge [sflag:s12], $0x2000  }
0x63: {  	[sflag:s12] =	ssyncset.done $0x0  }
0x64: {  	[sflag:s12] =	ssyncadd.s32 $0xFFFFE000  }
.LBB2_8:
0x65: {  	_ =	sfence.sel $0x180000  }
0x66: {  	[bflag:$0x0] =	sbarrier.arrive $0xFFFF  }
0x67: {  	p0 =	sne.s32 s1, $0x0;
	_ =	strace $0x9000004D  }
0x68: {  	s0 =	sadd.s32 @!p0 $0x100000, s0;
	[bflag:$0x2] =	sbarrier.arrive $0xFFFF  }
0x69: {  	[sflag:s0] =	ssyncadd.tile.s32 @!p0 $0x1;
	_ =	shalt  }
.Lfunc_end2:
_tile_overlayer_lowered:
.L_overlay_start_2:
0x6a: {  	(tag) =	ssettag $0x2  }
0x6b: {  	s0 =	rddreg [dreg:$0x0];
	s2 =	stileid.u32  }
0x6c: {  	s1 =	rddreg [dreg:$0x1];
	p0 =	sne.s32 s2, $0x0  }
0x6d: {  	s3 =	rddreg [dreg:$0x2];
	[bflag:$0x3] =	sbarrier.arrive $0xFFFF;
	s2 =	simm.s32 @!p0 $0x1C03  }
0x6e: {  	[timem:s3], [sflag:s2] =	dma.local @!p0 [hbm:s0], s1  }
0x6f: {  	s0 =	simm.s32 @!p0 $0x3  }
0x70: {  	_ =	swait.ge @!p0 [sflag:s0], s1  }
0x71: {  	s1 =	ssub.s32 @!p0 $0x0, s1;
	[sflag:s0] =	ssyncset.done @!p0 $0x0  }
0x72: {  	[sflag:s0] =	ssyncadd.s32 @!p0 s1  }
0x73: {  	[bflag:$0x3] =	sbarrier.arrive $0xFFFF  }
0x74: {  	_ =	shalt  }

// kernel: kernel.21.cloned.1.call-start
scs
__scs_entry_jumppad:
0x0: {  	(pc) =	sbr.rel $0x88, $3  }
0x1: {  	(tag) =	ssettag $0x0;
	lr =	simm.s32 $0x1  }
0x2: {  	[smem:$0x3F93] =	sst lr;
	_ =	strace $0xD0000000  }
0x3: {  	_ = 	snop  }
0x4: {  	_ = 	snop  }
0x5: {  	_ = 	snop  }
0x6: {  	_ = 	snop  }
0x7: {  	_ = 	snop  }
__scs_overlays_trampoline_lowered:
0x8: {  	[smem:$0x3FA2] =	sst s0  }
0x9: {  	[smem:$0x3FA3] =	sst s1  }
0xa: {  	[smem:$0x3FA4] =	sst s2  }
0xb: {  	[smem:$0x3FA5] =	sst s3  }
0xc: {  	[smem:$0x3FA6] =	sst s4  }
0xd: {  	[smem:$0x3FA7] =	sst s5  }
0xe: {  	[smem:$0x3FA8] =	sst s6  }
0xf: {  	[smem:$0x3FA9] =	sst s7  }
0x10: {  	[smem:$0x3FAA] =	sst s8  }
0x11: {  	[smem:$0x3FAB] =	sst s9;
	s0 =	simm.s32 @!p0 $0x0  }
0x12: {  	s1 =	sld [smem:$0x3F91];
	s0 =	simm.s32 @p0 $0x1  }
0x13: {  	[smem:$0x3FAC] =	sst s0;
	s0 =	simm.s32 @!p1 $0x0  }
0x14: {  	s2 =	sld [smem:$0x3F90];
	s0 =	simm.s32 @p1 $0x1  }
0x15: {  	[smem:$0x3FAD] =	sst s0;
	s0 =	simm.s32 @!p2 $0x0  }
0x16: {  	s3 =	sld [smem:$0x3FDB];
	s0 =	simm.s32 @p2 $0x1  }
0x17: {  	s4 =	simm.s32 $0x1BF5;
	[smem:$0x3FAF] =	sst s0  }
0x18: {  	s0 =	sld [smem:$0x3F92];
	_ =	swait.ge [sflag:s4], $0x0  }
0x19: {  	s7 =	sld [smem:$0x3F93]  }
0x1a: {  	s8 =	sadd.s32 $0xFFFFE003, lr  }
0x1b: {  	s9 =	sadd.s32 $0xFFFFFEF7, lr;
	s5 =	simm.s32 $0xFFFFFFFF;
	p2 =	slt.u32 s8, $0xFFFFF086  }
0x1c: {  	p1 =	slt.u32 s9, $0xF7A;
	s5 =	simm.s32 @!p2 $0x0  }
0x1d: {  	s5 =	simm.s32 @p1 $0x1;
	p0 =	seq.s32 s7, s2  }
0x1e: {  	s7 =	smul.u32 @!p0 $0xF7A, s2;
	p2 =	seq.s32 @!p0 s5, $0x0  }
0x1f: {  	s9 =	smul.u32 $0xF7A, s1;
	s8 =	simm.s32 @!p0 $0x1BF5;
	p2 =	por !p2, p0  }
0x20: {  	[sflag:s8] =	ssyncset.s32 @!p0 $0xFFFFF086;
	s6 =	sadd.s32 @!p0 s3, s7;
	s7 =	simm.s32 @!p0 $0x108  }
0x21: {  	s3 =	sadd.s32 s3, s9;
	s6 =	sadd.s32 @!p0 $0x88, s6;
	s7 =	simm.s32 @p2 $0x1082  }
0x22: {  	[simem:s7], [sflag:s8] =	dma.local @!p0 [hbm:s6], $0xF7A  }
0x23: {  	s9 =	sor.u32 $0xD0000000, s2;
	s6 =	simm.s32 $0x108;
	_ =	swait.ge @!p0 [sflag:s8], $0x0  }
0x24: {  	s3 =	sadd.s32 $0x88, s3;
	s6 =	simm.s32 @!p1 $0x1082;
	[sflag:s4] =	ssyncset.s32 $0xFFFFF086  }
0x25: {  	[simem:s6], [sflag:s4] =	dma.local [hbm:s3], $0xF7A  }
0x26: {  	[smem:$0x3F93] =	sst s1;
	(tag) =	ssettag s2;
	_ =	strace s9  }
0x27: {  	s1 =	sld [smem:$0x3FA3]  }
0x28: {  	s2 =	sld [smem:$0x3FA4]  }
0x29: {  	s4 =	sld [smem:$0x3FA6]  }
0x2a: {  	p0 =	seq.s32 s5, $0x0;
	s5 =	sld [smem:$0x3FA7]  }
0x2b: {  	s6 =	sld [smem:$0x3FA8]  }
0x2c: {  	s7 =	sld [smem:$0x3FA9]  }
0x2d: {  	s3 =	simm.s32 $0x108;
	s8 =	sld [smem:$0x3FAA]  }
0x2e: {  	s3 =	simm.s32 @!p0 $0x1082;
	s9 =	sld [smem:$0x3FAB]  }
0x2f: {  	lr =	sadd.s32 s0, s3;
	s0 =	sld [smem:$0x3FA2]  }
0x30: {  	s3 =	sld [smem:$0x3FA5]  }
0x31: {  	[smem:$0x3FAE] =	sst s10  }
0x32: {  	s10 =	sld [smem:$0x3FAC];
	_ =	sdelay $0x3  }
0x33: {  	p0 =	seq.s32 s10, $0x1;
	s10 =	sld [smem:$0x3FAE];
	_ =	sdelay $0x3  }
0x34: {  	[smem:$0x3FAE] =	sst s10  }
0x35: {  	s10 =	sld [smem:$0x3FAD];
	_ =	sdelay $0x3  }
0x36: {  	p1 =	seq.s32 s10, $0x1;
	s10 =	sld [smem:$0x3FAE];
	_ =	sdelay $0x3  }
0x37: {  	[smem:$0x3FAE] =	sst s10  }
0x38: {  	s10 =	sld [smem:$0x3FAF]  }
0x39: {  	_ = 	snop;
	(pc) =	sbr.ind lr, $3  }
0x3a: {  	_ = 	snop  }
0x3b: {  	_ = 	snop  }
0x3c: {  	p2 =	seq.s32 s10, $0x1;
	s10 =	sld [smem:$0x3FAE]  }
0x3d: {  	_ =	shalt  }
0x3e: {  	_ =	shalt  }
0x3f: {  	_ =	shalt  }
0x40: {  	_ =	shalt  }
0x41: {  	_ =	shalt  }
0x42: {  	_ =	shalt  }
0x43: {  	_ =	shalt  }
0x44: {  	_ =	shalt  }
0x45: {  	_ =	shalt  }
0x46: {  	_ =	shalt  }
0x47: {  	_ =	shalt  }
0x48: {  	_ =	shalt  }
0x49: {  	_ =	shalt  }
0x4a: {  	_ =	shalt  }
0x4b: {  	_ =	shalt  }
0x4c: {  	_ =	shalt  }
0x4d: {  	_ =	shalt  }
0x4e: {  	_ =	shalt  }
0x4f: {  	_ =	shalt  }
0x50: {  	_ =	shalt  }
0x51: {  	_ =	shalt  }
0x52: {  	_ =	shalt  }
0x53: {  	_ =	shalt  }
0x54: {  	_ =	shalt  }
0x55: {  	_ =	shalt  }
0x56: {  	_ =	shalt  }
0x57: {  	_ =	shalt  }
0x58: {  	_ =	shalt  }
0x59: {  	_ =	shalt  }
0x5a: {  	_ =	shalt  }
0x5b: {  	_ =	shalt  }
0x5c: {  	_ =	shalt  }
0x5d: {  	_ =	shalt  }
0x5e: {  	_ =	shalt  }
0x5f: {  	_ =	shalt  }
0x60: {  	_ =	shalt  }
0x61: {  	_ =	shalt  }
0x62: {  	_ =	shalt  }
0x63: {  	_ =	shalt  }
0x64: {  	_ =	shalt  }
0x65: {  	_ =	shalt  }
0x66: {  	_ =	shalt  }
0x67: {  	_ =	shalt  }
0x68: {  	_ =	shalt  }
0x69: {  	_ =	shalt  }
0x6a: {  	_ =	shalt  }
0x6b: {  	_ =	shalt  }
0x6c: {  	_ =	shalt  }
0x6d: {  	_ =	shalt  }
0x6e: {  	_ =	shalt  }
0x6f: {  	_ =	shalt  }
0x70: {  	_ =	shalt  }
0x71: {  	_ =	shalt  }
0x72: {  	_ =	shalt  }
0x73: {  	_ =	shalt  }
0x74: {  	_ =	shalt  }
0x75: {  	_ =	shalt  }
0x76: {  	_ =	shalt  }
0x77: {  	_ =	shalt  }
0x78: {  	_ =	shalt  }
0x79: {  	_ =	shalt  }
0x7a: {  	_ =	shalt  }
0x7b: {  	_ =	shalt  }
0x7c: {  	_ =	shalt  }
0x7d: {  	_ =	shalt  }
0x7e: {  	_ =	shalt  }
0x7f: {  	_ =	shalt  }
0x80: {  	_ =	shalt  }
0x81: {  	_ =	shalt  }
0x82: {  	_ =	shalt  }
0x83: {  	_ =	shalt  }
0x84: {  	_ =	shalt  }
0x85: {  	_ =	shalt  }
0x86: {  	_ =	shalt  }
0x87: {  	_ =	shalt  }
.Lfunc_end0:
.L_simem_size_0:
called_computation.3_lowered:
.L_overlay_start_0:
0x88: {  	s2 =	sld [smem:$0x3FD9]  }
0x89: {  	s3 =	sld [smem:$0x3FFE];
	_ =	sdelay $0x1  }
0x8a: {  	s1 =	srdreg.scid  }
0x8b: {  	s0 =	sand.u32 $0x1, s1  }
0x8c: {  	s16 =	sshll.u32 s0, $0xA;
	s2 =	sadd.s32 s3, s2  }
0x8d: {  	s2 =	sadd.s32 s2, s16  }
0x8e: {  	[smem:$0x3FBA] =	sst s2  }
0x8f: {  	_ = 	snop  }
0x90: {  	(tm) =	ssettm $0x1  }
0x91: {  	s17 =	sld [smem:$0x3FFB];
	_ =	sdelay $0x3  }
0x92: {  	_ =	strace s17  }
0x93: {  	s2 =	sld [smem:$0x3FFC];
	_ =	sdelay $0x3  }
0x94: {  	_ =	strace s2  }
0x95: {  	s2 =	sld [smem:$0x3FFD];
	_ =	sdelay $0x3  }
0x96: {  	_ =	strace s2  }
0x97: {  	_ =	strace $0x8FFFFFFF  }
0x98: {  	s18 =	sld [smem:$0x3FDB];
	_ =	sdelay $0x1  }
0x99: {  	s19 =	simm.s32 $_scs_section_size  }
0x9a: {  	s4 =	simm.s32 $_size__tile_overlayer_lowered;
	s5 =	simm.s32 $_tile_overlayer_lowered  }
0x9b: {  	s22 =	simm.s32 $0x1BFF;
	s21 =	sshll.u32 s5, $0x1;
	s2 =	sadd.s32 s19, s18  }
0x9c: {  	s6 =	simm.s32 $0x0;
	s20 =	sshll.u32 s4, $0x1;
	s4 =	sadd.s32 s21, s2  }
0x9d: {  	[timem:s6], [sflag:s22] =	dma.local [hbm:s4], s20  }
0x9e: {  	_ =	swait.ge [sflag:s22], s20  }
0x9f: {  	s3 =	ssub.s32 $0x0, s20;
	[sflag:s22] =	ssyncset.done $0x0  }
0xa0: {  	[sflag:s22] =	ssyncadd.s32 s3;
	_ =	sdelay $0x1  }
0xa1: {  	s23 =	simm.s32 $0x1B8B  }
0xa2: {  	_ =	swait.ge [sflag:s23], $0x1  }
0xa3: {  	[sflag:s23] =	ssyncset.done $0x0  }
0xa4: {  	s25 =	simm.s32 $0x1B8E;
	s24 =	sld [smem:$0x3FFE];
	[sflag:s23] =	ssyncadd.s32 $0xFFFFFFFF  }
0xa5: {  	s26 =	simm.s32 $execute0_lowered;
	[smem:$0x3FD2] =	sst s25  }
0xa6: {  	s4 =	sshll.u32 s26, $0x1;
	_ =	strace $0x8000004F;
	[dreg:$0x1] =	wrdreg $0xFFFFFFFF  }
0xa7: {  	s28 =	simm.s32 $_size_execute0_lowered;
	s2 =	sadd.s32 s2, s4;
	[dreg:$0x0] =	wrdreg $0x0  }
0xa8: {  	s4 =	sshll.u32 s28, $0x1;
	[dreg:$0x2] =	wrdreg s2  }
0xa9: {  	[dreg:$0x3] =	wrdreg s4  }
0xaa: {  	[dreg:$0x4] =	wrdreg $0xC0  }
0xab: {  	_ =	task [dreg:s6], $0x5FFFF  }
0xac: {  	[dreg:$0x1] =	wrdreg $0xFFFFFFFF  }
0xad: {  	[dreg:$0x0] =	wrdreg $0x60  }
0xae: {  	[dreg:$0x2] =	wrdreg s24  }
0xaf: {  	[dreg:$0x3] =	wrdreg $0x0  }
0xb0: {  	[dreg:$0x4] =	wrdreg $0x9  }
0xb1: {  	_ =	task.clear_ibuf [dreg:s6], $0x5FFFF;
	_ =	strace $0x9000004F  }
0xb2: {  	s29 =	simm.s32 $0x9;
	_ =	strace $0x80000051  }
0xb3: {  	_ =	swait.ge [sflag:s29], $0x1  }
0xb4: {  	[sflag:s29] =	ssyncadd.s32 $0xFFFFFFFF  }
0xb5: {  	_ =	strace $0x90000051  }
0xb6: {  	_ =	sfence  }
0xb7: {  	s30 =	sld [smem:$0x0];
	_ =	sdelay $0x2  }
0xb8: {  	s31 =	sshll.u32 s1, $0xD;
	s1 =	sshrl.u32 s1, $0x2  }
0xb9: {  	s3 =	sand.u32 $0x4000, s31;
	s1 =	sadd.s32 s1, s30  }
0xba: {  	s0 =	sor.u32 s3, s0;
	s1 =	sshll.u32 s1, $0x11  }
0xbb: {  	s0 =	sor.u32 s1, s0  }
0xbc: {  	s0 =	sadd.s32 $0x8F2B, s0  }
0xbd: {  	[sflag:s0] =	ssyncadd.remote.s32 $0x1  }
0xbe: {  	_ =	sfence.sel $0xFFFF  }
0xbf: {  	[dreg:$0x0] =	wrdreg $0xFFFFFFFF;
	(pc) =	sbr.abs _section_cstart, $3  }
0xc0: {  	[dreg:$0x1] =	wrdreg $0xFFFFFFFF  }
0xc1: {  	_ =	task.clear_ibuf [dreg:s6], $0x2FFFF;
	_ =	strace $0x9FFFFFFF  }
0xc2: {  	(tm) =	ssettm $0x7FFFFFFF  }
0xc3: {  	_ =	shalt  }
tec
execute0_lowered:
.L_overlay_start_1:
0x0: {  	(tag) =	ssettag $0x1  }
0x1: {  	s7 =	rddreg [dreg:$0x0]  }
0x2: {  	s2 =	rddreg [dreg:$0x1]  }
0x3: {  	s0 =	rddreg [dreg:$0x2];
	s3 =	simm.s32 $0x0  }
0x4: {  	s1 =	stileid.u32;
	s4 =	srdreg.scid;
	s15 =	simm.s32 $0x40  }
0x5: {  	s16 =	simm.s32 $0x16800;
	s17 =	simm.s32 $0x14080;
	s18 =	simm.s32 $0x18800  }
0x6: {  	s19 =	simm.s32 $0x1;
	s20 =	simm.s32 $0x2;
	s21 =	simm.s32 $0x16700  }
0x7: {  	s22 =	simm.s32 $0x16780;
	[smem:$0x7FF] =	sst s3;
	s23 =	smul.u32 $0x2800, s1  }
0x8: {  	s8 =	sand.u32 $0x1, s4;
	s4 =	sadd.s32 $0x53A00, s7;
	s10 =	smul.u32 $0xC8, s1  }
0x9: {  	s5 =	sadd.s32 $0x3FA00, s7;
	s6 =	sadd.s32 $0x3A00, s7;
	s13 =	smul.u32 $0x78, s1  }
0xa: {  	s28 =	smul.u32 $0x50000, s1;
	s30 =	sshll.u32 s1, $0x6;
	_ =	strace $0x80000050  }
0xb: {  	s9 =	smul.u32 $0x28000, s8;
	s12 =	ssub.s32 $0x2, s8;
	p0 =	seq.s32 s8, $0x0  }
0xc: {  	s11 =	sadd.s32 s23, s7;
	s26 =	sshrl.u32 s12, $0x1;
	s29 =	sshrl.u32 s28, $0x2  }
.Ltmp0:
0xd: {  	s14 =	sadd.s32 s9, s7;
	s12 =	ssub.s32 s12, s26;
	(pc) =	sbr.rel .LBB2_1-.Ltmp0, $4  }
0xe: {  	s7 =	sadd.s32 $0xC80, s13;
	s31 =	sadd.s32 s29, s2;
	s8 =	sadd.s32 $0x17A00, s11  }
0xf: {  	s9 =	sor.u32 $0x1C03, s30;
	s13 =	simm.s32 $0x14000;
	s7 =	smov.u32 @p0 s10  }
0x10: {  	s24 =	sadd.s32 $0x7AC00, s14;
	s10 =	smax.u32 s12, $0x1;
	s11 =	sshrl.u32 s31, $0x3  }
0x11: {  	s12 =	simm.s32 $0x3;
	s14 =	simm.s32 $0x15400;
	s23 =	sadd.s32 s23, s24  }
.LBB2_7:
0x12: {  	s3 =	sadd.s32 $0x1, s3  }
0x13: {  	p1 =	sne.s32 s3, s10  }
.Ltmp1:
0x14: {  	[bflag:$0x0] =	sbarrier.arrive $0xFFFF;
	(pc) =	sbr.rel @!p1 .LBB2_8-.Ltmp1, $4  }
0x15: {  	[hbm:s23], [sflag:s9] =	dma.local [spmem:s11], $0x2800  }
0x16: {  	_ =	swait.ge [sflag:s12], $0x2800  }
0x17: {  	[sflag:s12] =	ssyncset.done $0x0  }
0x18: {  	[sflag:s12] =	ssyncadd.s32 $0xFFFFD800  }
.LBB2_1:
0x19: {  	[spmem:s11], [sflag:s9] =	dma.local [hbm:s8], $0x2800  }
.Ltmp2:
0x1a: {  	_ =	swait.ge [sflag:s12], $0x2800;
	(pc) =	sbr.rel .LBB2_2-.Ltmp2, $4  }
0x1b: {  	[sflag:s12] =	ssyncset.done $0x0  }
0x1c: {  	[sflag:s12] =	ssyncadd.s32 $0xFFFFD800  }
0x1d: {  	[bflag:$0x0] =	sbarrier.arrive $0xFFFF  }
0x1e: {  	s24 =	simm.s32 $0x0  }
.LBB2_6:
0x1f: {  	s24 =	sadd.s32 $0x1, s24  }
0x20: {  	p1 =	sne.s32 s24, $0x5  }
.Ltmp3:
0x21: {  	_ = 	snop;
	(pc) =	sbr.rel @!p1 .LBB2_7-.Ltmp3, $1  }
0x22: {  	_ =	sdelay $0x3  }
.LBB2_2:
0x23: {  	p1 =	sgt.u32 @!p0 s24, $0x2  }
0x24: {  	p1 =	por p0, !p1  }
.Ltmp4:
0x25: {  	_ = 	snop;
	(pc) =	sbr.rel @!p1 .LBB2_6-.Ltmp4, $1  }
0x26: {  	_ =	sdelay $0x3  }
0x27: {  	s25 =	smul.u32 $0x28, s24;
	_ =	sdelay $0x1  }
0x28: {  	s25 =	sadd.s32 s7, s25  }
0x29: {  	s25 =	sshll.u32 s25, $0x4  }
0x2a: {  	s28 =	simm.s32 $0x0;
	s26 =	sadd.s32 s5, s25  }
0x2b: {  	[tilespmem:s13], [sflag:$0x3] =	stream.linear.gather [hbm4b:s26+s28], $0x1400, $0x38;
	[tilespmem:$0x1A800] =	vst v63  }
0x2c: {  	_ =	swait.ge [sflag:s12], $0x1400  }
0x2d: {  	[sflag:s12] =	ssyncset.done $0x0  }
0x2e: {  	s25 =	sadd.s32 s6, s25;
	[sflag:s12] =	ssyncadd.s32 $0xFFFFEC00  }
0x2f: {  	[tilespmem:s14], [sflag:$0x3] =	stream.linear.gather [hbm4b:s25+s28], $0x1400, $0x38;
	[tilespmem:$0x1A800] =	vst v63  }
0x30: {  	_ =	swait.ge [sflag:s12], $0x1400  }
0x31: {  	[sflag:s12] =	ssyncset.done $0x0  }
0x32: {  	[sflag:s12] =	ssyncadd.s32 $0xFFFFEC00  }
0x33: {  	[tilespmem:s16], [sflag:$0x1] =	stream.indirect.gather [hbm4b:s4+s15], $0x80, s13, s15, $0xb8;
	[tilespmem:$0x1A800] =	vst v63  }
0x34: {  	_ = 	snop  }
0x35: {  	[tilespmem:s18], [sflag:$0x2] =	stream.indirect.gather [hbm4b:s4+s15], $0x80, s17, s15, $0xb8;
	[tilespmem:$0x1A800] =	vst v63  }
0x36: {  	_ =	swait.ge [sflag:s19], $0x2000  }
0x37: {  	[sflag:s19] =	ssyncset.done $0x0  }
0x38: {  	s29 =	simm.s32 $0x15400;
	[sflag:s19] =	ssyncadd.s32 $0xFFFFE000  }
0x39: {  	[spmem:s2] =	stream.indirect.scatter.add.f32 [tilespmem:s16], [sflag:$0x3], $0x80, s29, s15, $0xb8;
	[tilespmem:$0x1A800] =	vst v63  }
0x3a: {  	_ =	swait.ge [sflag:s12], $0x2000  }
0x3b: {  	[sflag:s12] =	ssyncset.done $0x0  }
0x3c: {  	s30 =	simm.s32 $0x14100;
	[sflag:s12] =	ssyncadd.s32 $0xFFFFE000  }
0x3d: {  	[tilespmem:s16], [sflag:$0x1] =	stream.indirect.gather [hbm4b:s4+s15], $0x80, s30, s15, $0xb8;
	[tilespmem:$0x1A800] =	vst v63  }
0x3e: {  	_ =	swait.ge [sflag:s20], $0x2000  }
0x3f: {  	[sflag:s20] =	ssyncset.done $0x0  }
0x40: {  	s31 =	simm.s32 $0x15480;
	[sflag:s20] =	ssyncadd.s32 $0xFFFFE000  }
0x41: {  	[spmem:s2] =	stream.indirect.scatter.add.f32 [tilespmem:s18], [sflag:$0x3], $0x80, s31, s15, $0xb8;
	[tilespmem:$0x1A800] =	vst v63  }
0x42: {  	_ =	swait.ge [sflag:s12], $0x2000  }
0x43: {  	[sflag:s12] =	ssyncset.done $0x0  }
0x44: {  	s26 =	simm.s32 $0x14180;
	s25 =	simm.s32 $0x400;
	[sflag:s12] =	ssyncadd.s32 $0xFFFFE000  }
.LBB2_4:
0x45: {  	[tilespmem:s18], [sflag:$0x2] =	stream.indirect.gather [hbm4b:s4+s15], $0x80, s26, s15, $0xb8;
	[tilespmem:$0x1A800] =	vst v63  }
0x46: {  	s26 =	smov.u32 s25  }
0x47: {  	p1 =	sne.s32 s25, $0x4800;
	s25 =	sadd.s32 $0x400, s25;
	_ =	swait.ge [sflag:s19], $0x2000  }
0x48: {  	s26 =	sshra.s32 s26, $0x2;
	[sflag:s19] =	ssyncset.done $0x0  }
0x49: {  	s28 =	sadd.s32 $0x15400, s26;
	[sflag:s19] =	ssyncadd.s32 $0xFFFFE000  }
0x4a: {  	[spmem:s2] =	stream.indirect.scatter.add.f32 [tilespmem:s16], [sflag:$0x3], $0x80, s28, s15, $0xb8;
	[tilespmem:$0x1A800] =	vst v63  }
0x4b: {  	_ =	swait.ge [sflag:s12], $0x2000  }
0x4c: {  	[sflag:s12] =	ssyncset.done $0x0  }
0x4d: {  	s28 =	sadd.s32 $0x14100, s26;
	[sflag:s12] =	ssyncadd.s32 $0xFFFFE000  }
0x4e: {  	[tilespmem:s16], [sflag:$0x1] =	stream.indirect.gather [hbm4b:s4+s15], $0x80, s28, s15, $0xb8;
	[tilespmem:$0x1A800] =	vst v63  }
0x4f: {  	_ =	swait.ge [sflag:s20], $0x2000  }
0x50: {  	[sflag:s20] =	ssyncset.done $0x0  }
.Ltmp5:
0x51: {  	s28 =	sadd.s32 $0x15480, s26;
	[sflag:s20] =	ssyncadd.s32 $0xFFFFE000;
	(pc) =	sbr.rel @p1 .LBB2_4-.Ltmp5, $4  }
0x52: {  	[spmem:s2] =	stream.indirect.scatter.add.f32 [tilespmem:s18], [sflag:$0x3], $0x80, s28, s15, $0xb8;
	[tilespmem:$0x1A800] =	vst v63  }
0x53: {  	_ =	swait.ge [sflag:s12], $0x2000  }
0x54: {  	[sflag:s12] =	ssyncset.done $0x0  }
0x55: {  	s26 =	sadd.s32 $0x14180, s26;
	[sflag:s12] =	ssyncadd.s32 $0xFFFFE000  }
0x56: {  	[tilespmem:s18], [sflag:$0x2] =	stream.indirect.gather [hbm4b:s4+s15], $0x80, s26, s15, $0xb8;
	[tilespmem:$0x1A800] =	vst v63  }
0x57: {  	_ =	swait.ge [sflag:s19], $0x2000  }
0x58: {  	[sflag:s19] =	ssyncset.done $0x0  }
0x59: {  	[sflag:s19] =	ssyncadd.s32 $0xFFFFE000  }
0x5a: {  	[spmem:s2] =	stream.indirect.scatter.add.f32 [tilespmem:s16], [sflag:$0x3], $0x80, s21, s15, $0xb8;
	[tilespmem:$0x1A800] =	vst v63  }
0x5b: {  	_ =	swait.ge [sflag:s12], $0x2000  }
0x5c: {  	[sflag:s12] =	ssyncset.done $0x0  }
0x5d: {  	[sflag:s12] =	ssyncadd.s32 $0xFFFFE000  }
0x5e: {  	_ =	swait.ge [sflag:s20], $0x2000  }
0x5f: {  	[sflag:s20] =	ssyncset.done $0x0  }
.Ltmp6:
0x60: {  	[sflag:s20] =	ssyncadd.s32 $0xFFFFE000;
	(pc) =	sbr.rel .LBB2_6-.Ltmp6, $4  }
0x61: {  	[spmem:s2] =	stream.indirect.scatter.add.f32 [tilespmem:s18], [sflag:$0x3], $0x80, s22, s15, $0xb8;
	[tilespmem:$0x1A800] =	vst v63  }
0x62: {  	_ =	swait.ge [sflag:s12], $0x2000  }
0x63: {  	[sflag:s12] =	ssyncset.done $0x0  }
0x64: {  	[sflag:s12] =	ssyncadd.s32 $0xFFFFE000  }
.LBB2_8:
0x65: {  	_ =	sfence.sel $0x180000  }
0x66: {  	[bflag:$0x0] =	sbarrier.arrive $0xFFFF  }
0x67: {  	p0 =	sne.s32 s1, $0x0;
	_ =	strace $0x90000050  }
0x68: {  	s0 =	sadd.s32 @!p0 $0x100000, s0;
	[bflag:$0x2] =	sbarrier.arrive $0xFFFF  }
0x69: {  	[sflag:s0] =	ssyncadd.tile.s32 @!p0 $0x1;
	_ =	shalt  }
.Lfunc_end2:
_tile_overlayer_lowered:
.L_overlay_start_2:
0x6a: {  	(tag) =	ssettag $0x2  }
0x6b: {  	s0 =	rddreg [dreg:$0x0];
	s2 =	stileid.u32  }
0x6c: {  	s1 =	rddreg [dreg:$0x1];
	p0 =	sne.s32 s2, $0x0  }
0x6d: {  	s3 =	rddreg [dreg:$0x2];
	[bflag:$0x3] =	sbarrier.arrive $0xFFFF;
	s2 =	simm.s32 @!p0 $0x1C03  }
0x6e: {  	[timem:s3], [sflag:s2] =	dma.local @!p0 [hbm:s0], s1  }
0x6f: {  	s0 =	simm.s32 @!p0 $0x3  }
0x70: {  	_ =	swait.ge @!p0 [sflag:s0], s1  }
0x71: {  	s1 =	ssub.s32 @!p0 $0x0, s1;
	[sflag:s0] =	ssyncset.done @!p0 $0x0  }
0x72: {  	[sflag:s0] =	ssyncadd.s32 @!p0 s1  }
0x73: {  	[bflag:$0x3] =	sbarrier.arrive $0xFFFF  }
0x74: {  	_ =	shalt  }

</sc_bundles>
